<compile_context>
chip_gen: v7x
topology: tpu7x:2x2x1
jax: 0.10.2.dev20260603
libtpu: 0.0.44.dev20260713+nightly
codegen_flags: <defaults>
</compile_context>

<pallas_src>
import functools

import jax
import jax.numpy as jnp
from jax import lax
from jax.experimental import pallas as pl
from jax.experimental.pallas import tpu as pltpu
from jax.experimental.pallas import tpu_sc as plsc

_NSPLIT = 8


@functools.lru_cache(maxsize=None)
def _make_gather(B, V, D):
    info = plsc.get_sparse_core_info()
    NC, NS = info.num_cores, info.num_subcores
    NW = NC * NS
    assert B % NW == 0
    b_per_w = B // NW
    assert b_per_w % _NSPLIT == 0
    chunk = b_per_w // _NSPLIT
    mesh = plsc.VectorSubcoreMesh(core_axis_name="c", subcore_axis_name="s")

    @functools.partial(
        pl.kernel,
        mesh=mesh,
        compiler_params=pltpu.CompilerParams(use_tc_tiling_on_sc=False),
        out_type=jax.ShapeDtypeStruct((B, D), jnp.float32),
        scratch_types=[
            pltpu.VMEM((b_per_w,), jnp.int32),
            pltpu.VMEM((b_per_w, D), jnp.float32),
            pltpu.SemaphoreType.DMA,
        ],
    )
    def gather(uid_hbm, table, out_u, idx_u, rows_u, sem_u):
        wid = lax.axis_index("s") * NC + lax.axis_index("c")
        base = wid * b_per_w
        pltpu.sync_copy(uid_hbm.at[pl.ds(base, b_per_w)], idx_u)
        cps = [
            pltpu.async_copy(
                table.at[idx_u.at[pl.ds(j * chunk, chunk)]],
                rows_u.at[pl.ds(j * chunk, chunk)],
                sem_u,
            )
            for j in range(_NSPLIT)
        ]
        for cp in cps:
            cp.wait()
        pltpu.sync_copy(rows_u, out_u.at[pl.ds(base, b_per_w)])

    return gather


def _mlp_body(xu_ref, g_ref, a_ref, w1a_ref, gp_ref, w1b_ref, ap_ref,
              w1c_ref, b1_ref, w2_ref, b2_ref, out_ref):
    bs = xu_ref.shape[0]
    bf = jnp.bfloat16
    xu = xu_ref[...].astype(bf)
    h = jnp.dot(xu, w1a_ref[...].astype(bf), preferred_element_type=jnp.float32)
    gw = jnp.dot(gp_ref[...].astype(bf), w1b_ref[...].astype(bf),
                 preferred_element_type=jnp.float32).astype(bf)
    aw = jnp.dot(ap_ref[...].astype(bf), w1c_ref[...].astype(bf),
                 preferred_element_type=jnp.float32).astype(bf)
    g = g_ref[0, 0, :]
    a = a_ref[0, 0, :]
    goh = (lax.broadcasted_iota(jnp.int32, (bs, 8), 1) == g[:, None]).astype(bf)
    aoh = (lax.broadcasted_iota(jnp.int32, (bs, 104), 1) == a[:, None]).astype(bf)
    h = h + jnp.dot(goh, gw, preferred_element_type=jnp.float32)
    h = h + jnp.dot(aoh, aw, preferred_element_type=jnp.float32)
    h = h + b1_ref[...]
    h = jnp.where(h >= 0, h, 0.01 * h)
    out_ref[...] = (jnp.dot(h.astype(bf), w2_ref[...].astype(bf),
                            preferred_element_type=jnp.float32) + b2_ref[...])


@functools.lru_cache(maxsize=None)
def _make_mlp(B, D, M, bs):
    grid = (B // bs,)
    zero = lambda i: (0, 0)
    return pl.pallas_call(
        _mlp_body,
        grid=grid,
        in_specs=[
            pl.BlockSpec((bs, D), lambda i: (i, 0)),
            pl.BlockSpec((1, 1, bs), lambda i: (i, 0, 0)),
            pl.BlockSpec((1, 1, bs), lambda i: (i, 0, 0)),
            pl.BlockSpec((D, M), zero),
            pl.BlockSpec((8, D), zero),
            pl.BlockSpec((D, M), zero),
            pl.BlockSpec((104, D), zero),
            pl.BlockSpec((D, M), zero),
            pl.BlockSpec((1, M), zero),
            pl.BlockSpec((M, M), zero),
            pl.BlockSpec((1, M), zero),
        ],
        out_specs=pl.BlockSpec((bs, M), lambda i: (i, 0)),
        out_shape=jax.ShapeDtypeStruct((B, M), jnp.float32),
        compiler_params=pltpu.CompilerParams(
            dimension_semantics=("parallel",)),
    )


def kernel(uid, gender, age, uid_table, gender_table, age_table, W1, b1, W2, b2):
    B = uid.shape[0]
    V, D = uid_table.shape
    M = W2.shape[1]
    bs = 2048
    uid = uid.astype(jnp.int32)
    gender = gender.astype(jnp.int32)
    age = age.astype(jnp.int32)
    gather = _make_gather(B, V, D)
    xu = gather(uid, uid_table)
    gp = jnp.pad(gender_table, ((0, 8 - gender_table.shape[0]), (0, 0)))
    ap = jnp.pad(age_table, ((0, 104 - age_table.shape[0]), (0, 0)))
    mlp = _make_mlp(B, D, M, bs)
    out = mlp(xu,
              gender.reshape(B // bs, 1, bs),
              age.reshape(B // bs, 1, bs),
              W1[:D], gp, W1[D:2 * D], ap, W1[2 * D:3 * D],
              b1.reshape(1, M), W2, b2.reshape(1, M))
    return out[:, None, :]

# --- scband reference (transcript-rebuilt; emitter-appended) ---
"""Pipeline reference for scband-user-static-pathway-3229815407319 (READ-ONLY COPY).

The authoritative reference and input builder live on the scoring server;
editing this copy changes nothing except your own understanding.
"""

import jax, jax.numpy as jnp
import numpy as np

B = 16384
UID_VOCAB = 1000000
UID_DIM = 64
GENDER_DIM = 64
AGE_DIM = 64
MODEL_DIM = 512

def setup_inputs(seed: int = 0) -> dict:
    key = jax.random.key(seed)
    ks = jax.random.split(key, 10)
    uid = jax.random.randint(ks[0], (B,), 0, UID_VOCAB)
    gender = jax.random.randint(ks[1], (B,), 0, 3)
    age = jax.random.randint(ks[2], (B,), 0, 100)
    uid_table = jax.random.normal(ks[3], (UID_VOCAB, UID_DIM), jnp.float32) * 0.02
    gender_table = jax.random.normal(ks[4], (3, GENDER_DIM), jnp.float32) * 0.02
    age_table = jax.random.normal(ks[5], (100, AGE_DIM), jnp.float32) * 0.02
    total_static_dim = UID_DIM + GENDER_DIM + AGE_DIM
    W1 = jax.random.normal(ks[6], (total_static_dim, MODEL_DIM), jnp.float32) * (1.0 / np.sqrt(total_static_dim))
    b1 = jnp.zeros((MODEL_DIM,), jnp.float32)
    W2 = jax.random.normal(ks[7], (MODEL_DIM, MODEL_DIM), jnp.float32) * (1.0 / np.sqrt(MODEL_DIM))
    b2 = jnprandom_zeros = jnp.zeros((MODEL_DIM,), jnp.float32)
    return {"uid": uid, "gender": gender, "age": age,
            "uid_table": uid_table, "gender_table": gender_table, "age_table": age_table,
            "W1": W1, "b1": b1, "W2": W2, "b2": b2}

def reference(uid, gender, age, uid_table, gender_table, age_table, W1, b1, W2, b2):
    uid_emb = jnp.take(uid_table, uid, axis=0)
    gender_emb = jnp.take(gender_table, gender, axis=0)
    age_emb = jnp.take(age_table, age, axis=0)
    combined = jnp.concatenate([uid_emb, gender_emb, age_emb], axis=-1)
    h = combined @ W1 + b1
    h = jnp.where(h >= 0, h, 0.01 * h)  # LeakyReLU, default negative_slope=0.01
    h = h @ W2 + b2
    return h[:, None, :]  # [B, 1, model_dim]

if __name__ == "__main__":
    import jax
    _d = setup_inputs()
    print(jax.jit(kernel)(*tuple(_d.values())))

</pallas_src>

<mosaic_0001>
#map = affine_map<(d0, d1) -> (0)>
#map1 = affine_map<(d0, d1) -> (0, 0)>
module attributes {stable_mosaic.version = 14 : i64} {
  func.func @gather(%arg0: i32, %arg1: i32, %arg2: memref<16384xi32, #tpu.memory_space<hbm>>, %arg3: memref<1000000x64xf32, #tpu.memory_space<hbm>>, %arg4: memref<16384x64xf32, #tpu.memory_space<hbm>>, %arg5: memref<512xi32, #tpu.memory_space<vmem>>, %arg6: memref<512x64xf32, #tpu.memory_space<vmem>>, %arg7: memref<!tpu.dma_semaphore, #tpu.memory_space<semaphore_mem>>) attributes {dimension_semantics = [#tpu.dimension_semantics<core_parallel>, #tpu.dimension_semantics<subcore_parallel>], iteration_bounds = array<i64: 2, 16>, scalar_prefetch = 0 : i64, scratch_operands = 3 : i64, tpu.core_type = #tpu.core_type<sc_vector_subcore>, window_params = [{transform_indices = #map}, {transform_indices = #map1}, {transform_indices = #map1}]} {
    %mul3A = arith.constant 2 : i32
    %mul3A_0 = arith.muli %arg1, %mul3A : i32
    %add3A = arith.addi %mul3A_0, %arg0 : i32
    %mul3A_1 = arith.constant 512 : i32
    %mul3A_2 = arith.muli %add3A, %mul3A_1 : i32
    "tpu.region"() ({
      %run_scoped3A = tpu.sem_alloc : memref<!tpu.dma_semaphore, #tpu.memory_space<semaphore_mem>>
      %dma_start3A_129 = tpu.memref_slice %arg2[%mul3A_2] : memref<16384xi32, #tpu.memory_space<hbm>> -> memref<512xi32, #tpu.memory_space<hbm>>
      %dma_start3A_130 = tpu.memref_slice %arg2[%mul3A_2] : memref<16384xi32, #tpu.memory_space<hbm>> -> memref<512xi32, #tpu.memory_space<hbm>>
      tpu.enqueue_dma source(%dma_start3A_130 : memref<512xi32, #tpu.memory_space<hbm>>) target(%arg5 : memref<512xi32, #tpu.memory_space<vmem>>) target_semaphore(%run_scoped3A : memref<!tpu.dma_semaphore, #tpu.memory_space<semaphore_mem>>)
      %dma_wait3A_131 = tpu.memref_slice %arg2[%mul3A_2] : memref<16384xi32, #tpu.memory_space<hbm>> -> memref<512xi32, #tpu.memory_space<hbm>>
      %dma_wait3A_132 = tpu.memref_slice %arg2[%mul3A_2] : memref<16384xi32, #tpu.memory_space<hbm>> -> memref<512xi32, #tpu.memory_space<hbm>>
      tpu.wait_dma2 semaphore(%run_scoped3A : memref<!tpu.dma_semaphore, #tpu.memory_space<semaphore_mem>>) src(%dma_wait3A_132 : memref<512xi32, #tpu.memory_space<hbm>>) dst(%arg5 : memref<512xi32, #tpu.memory_space<vmem>>)
      tpu.yield
    }) : () -> ()
    %dma_start3A = arith.constant 0 : i32
    %dma_start3A_3 = arith.constant 0 : i32
    %dma_start3A_4 = tpu.memref_slice %arg6[%dma_start3A, %dma_start3A_3] : memref<512x64xf32, #tpu.memory_space<vmem>> -> memref<64x64xf32, #tpu.memory_space<vmem>>
    %dma_start3A_5 = arith.constant 0 : i32
    %dma_start3A_6 = tpu.memref_slice %arg5[%dma_start3A_5] : memref<512xi32, #tpu.memory_space<vmem>> -> memref<64xi32, #tpu.memory_space<vmem>>
    %dma_start3A_7 = arith.constant 0 : i32
    %dma_start3A_8 = arith.constant 0 : i32
    %dma_start3A_9 = tpu.memref_slice %arg3[%dma_start3A_7, %dma_start3A_8] : memref<1000000x64xf32, #tpu.memory_space<hbm>> -> memref<1000000x64xf32, #tpu.memory_space<hbm>>
    tpu.enqueue_indirect_dma source(%dma_start3A_9 : memref<1000000x64xf32, #tpu.memory_space<hbm>>) target(%dma_start3A_4 : memref<64x64xf32, #tpu.memory_space<vmem>>) offsets(%dma_start3A_6 : memref<64xi32, #tpu.memory_space<vmem>>) semaphore(%arg7 : memref<!tpu.dma_semaphore, #tpu.memory_space<semaphore_mem>>)
    %dma_start3A_10 = arith.constant 64 : i32
    %dma_start3A_11 = arith.constant 0 : i32
    %dma_start3A_12 = tpu.memref_slice %arg6[%dma_start3A_10, %dma_start3A_11] : memref<512x64xf32, #tpu.memory_space<vmem>> -> memref<64x64xf32, #tpu.memory_space<vmem>>
    %dma_start3A_13 = arith.constant 64 : i32
    %dma_start3A_14 = tpu.memref_slice %arg5[%dma_start3A_13] : memref<512xi32, #tpu.memory_space<vmem>> -> memref<64xi32, #tpu.memory_space<vmem>>
    %dma_start3A_15 = arith.constant 0 : i32
    %dma_start3A_16 = arith.constant 0 : i32
    %dma_start3A_17 = tpu.memref_slice %arg3[%dma_start3A_15, %dma_start3A_16] : memref<1000000x64xf32, #tpu.memory_space<hbm>> -> memref<1000000x64xf32, #tpu.memory_space<hbm>>
    tpu.enqueue_indirect_dma source(%dma_start3A_17 : memref<1000000x64xf32, #tpu.memory_space<hbm>>) target(%dma_start3A_12 : memref<64x64xf32, #tpu.memory_space<vmem>>) offsets(%dma_start3A_14 : memref<64xi32, #tpu.memory_space<vmem>>) semaphore(%arg7 : memref<!tpu.dma_semaphore, #tpu.memory_space<semaphore_mem>>)
    %dma_start3A_18 = arith.constant 128 : i32
    %dma_start3A_19 = arith.constant 0 : i32
    %dma_start3A_20 = tpu.memref_slice %arg6[%dma_start3A_18, %dma_start3A_19] : memref<512x64xf32, #tpu.memory_space<vmem>> -> memref<64x64xf32, #tpu.memory_space<vmem>>
    %dma_start3A_21 = arith.constant 128 : i32
    %dma_start3A_22 = tpu.memref_slice %arg5[%dma_start3A_21] : memref<512xi32, #tpu.memory_space<vmem>> -> memref<64xi32, #tpu.memory_space<vmem>>
    %dma_start3A_23 = arith.constant 0 : i32
    %dma_start3A_24 = arith.constant 0 : i32
    %dma_start3A_25 = tpu.memref_slice %arg3[%dma_start3A_23, %dma_start3A_24] : memref<1000000x64xf32, #tpu.memory_space<hbm>> -> memref<1000000x64xf32, #tpu.memory_space<hbm>>
    tpu.enqueue_indirect_dma source(%dma_start3A_25 : memref<1000000x64xf32, #tpu.memory_space<hbm>>) target(%dma_start3A_20 : memref<64x64xf32, #tpu.memory_space<vmem>>) offsets(%dma_start3A_22 : memref<64xi32, #tpu.memory_space<vmem>>) semaphore(%arg7 : memref<!tpu.dma_semaphore, #tpu.memory_space<semaphore_mem>>)
    %dma_start3A_26 = arith.constant 192 : i32
    %dma_start3A_27 = arith.constant 0 : i32
    %dma_start3A_28 = tpu.memref_slice %arg6[%dma_start3A_26, %dma_start3A_27] : memref<512x64xf32, #tpu.memory_space<vmem>> -> memref<64x64xf32, #tpu.memory_space<vmem>>
    %dma_start3A_29 = arith.constant 192 : i32
    %dma_start3A_30 = tpu.memref_slice %arg5[%dma_start3A_29] : memref<512xi32, #tpu.memory_space<vmem>> -> memref<64xi32, #tpu.memory_space<vmem>>
    %dma_start3A_31 = arith.constant 0 : i32
    %dma_start3A_32 = arith.constant 0 : i32
    %dma_start3A_33 = tpu.memref_slice %arg3[%dma_start3A_31, %dma_start3A_32] : memref<1000000x64xf32, #tpu.memory_space<hbm>> -> memref<1000000x64xf32, #tpu.memory_space<hbm>>
    tpu.enqueue_indirect_dma source(%dma_start3A_33 : memref<1000000x64xf32, #tpu.memory_space<hbm>>) target(%dma_start3A_28 : memref<64x64xf32, #tpu.memory_space<vmem>>) offsets(%dma_start3A_30 : memref<64xi32, #tpu.memory_space<vmem>>) semaphore(%arg7 : memref<!tpu.dma_semaphore, #tpu.memory_space<semaphore_mem>>)
    %dma_start3A_34 = arith.constant 256 : i32
    %dma_start3A_35 = arith.constant 0 : i32
    %dma_start3A_36 = tpu.memref_slice %arg6[%dma_start3A_34, %dma_start3A_35] : memref<512x64xf32, #tpu.memory_space<vmem>> -> memref<64x64xf32, #tpu.memory_space<vmem>>
    %dma_start3A_37 = arith.constant 256 : i32
    %dma_start3A_38 = tpu.memref_slice %arg5[%dma_start3A_37] : memref<512xi32, #tpu.memory_space<vmem>> -> memref<64xi32, #tpu.memory_space<vmem>>
    %dma_start3A_39 = arith.constant 0 : i32
    %dma_start3A_40 = arith.constant 0 : i32
    %dma_start3A_41 = tpu.memref_slice %arg3[%dma_start3A_39, %dma_start3A_40] : memref<1000000x64xf32, #tpu.memory_space<hbm>> -> memref<1000000x64xf32, #tpu.memory_space<hbm>>
    tpu.enqueue_indirect_dma source(%dma_start3A_41 : memref<1000000x64xf32, #tpu.memory_space<hbm>>) target(%dma_start3A_36 : memref<64x64xf32, #tpu.memory_space<vmem>>) offsets(%dma_start3A_38 : memref<64xi32, #tpu.memory_space<vmem>>) semaphore(%arg7 : memref<!tpu.dma_semaphore, #tpu.memory_space<semaphore_mem>>)
    %dma_start3A_42 = arith.constant 320 : i32
    %dma_start3A_43 = arith.constant 0 : i32
    %dma_start3A_44 = tpu.memref_slice %arg6[%dma_start3A_42, %dma_start3A_43] : memref<512x64xf32, #tpu.memory_space<vmem>> -> memref<64x64xf32, #tpu.memory_space<vmem>>
    %dma_start3A_45 = arith.constant 320 : i32
    %dma_start3A_46 = tpu.memref_slice %arg5[%dma_start3A_45] : memref<512xi32, #tpu.memory_space<vmem>> -> memref<64xi32, #tpu.memory_space<vmem>>
    %dma_start3A_47 = arith.constant 0 : i32
    %dma_start3A_48 = arith.constant 0 : i32
    %dma_start3A_49 = tpu.memref_slice %arg3[%dma_start3A_47, %dma_start3A_48] : memref<1000000x64xf32, #tpu.memory_space<hbm>> -> memref<1000000x64xf32, #tpu.memory_space<hbm>>
    tpu.enqueue_indirect_dma source(%dma_start3A_49 : memref<1000000x64xf32, #tpu.memory_space<hbm>>) target(%dma_start3A_44 : memref<64x64xf32, #tpu.memory_space<vmem>>) offsets(%dma_start3A_46 : memref<64xi32, #tpu.memory_space<vmem>>) semaphore(%arg7 : memref<!tpu.dma_semaphore, #tpu.memory_space<semaphore_mem>>)
    %dma_start3A_50 = arith.constant 384 : i32
    %dma_start3A_51 = arith.constant 0 : i32
    %dma_start3A_52 = tpu.memref_slice %arg6[%dma_start3A_50, %dma_start3A_51] : memref<512x64xf32, #tpu.memory_space<vmem>> -> memref<64x64xf32, #tpu.memory_space<vmem>>
    %dma_start3A_53 = arith.constant 384 : i32
    %dma_start3A_54 = tpu.memref_slice %arg5[%dma_start3A_53] : memref<512xi32, #tpu.memory_space<vmem>> -> memref<64xi32, #tpu.memory_space<vmem>>
    %dma_start3A_55 = arith.constant 0 : i32
    %dma_start3A_56 = arith.constant 0 : i32
    %dma_start3A_57 = tpu.memref_slice %arg3[%dma_start3A_55, %dma_start3A_56] : memref<1000000x64xf32, #tpu.memory_space<hbm>> -> memref<1000000x64xf32, #tpu.memory_space<hbm>>
    tpu.enqueue_indirect_dma source(%dma_start3A_57 : memref<1000000x64xf32, #tpu.memory_space<hbm>>) target(%dma_start3A_52 : memref<64x64xf32, #tpu.memory_space<vmem>>) offsets(%dma_start3A_54 : memref<64xi32, #tpu.memory_space<vmem>>) semaphore(%arg7 : memref<!tpu.dma_semaphore, #tpu.memory_space<semaphore_mem>>)
    %dma_start3A_58 = arith.constant 448 : i32
    %dma_start3A_59 = arith.constant 0 : i32
    %dma_start3A_60 = tpu.memref_slice %arg6[%dma_start3A_58, %dma_start3A_59] : memref<512x64xf32, #tpu.memory_space<vmem>> -> memref<64x64xf32, #tpu.memory_space<vmem>>
    %dma_start3A_61 = arith.constant 448 : i32
    %dma_start3A_62 = tpu.memref_slice %arg5[%dma_start3A_61] : memref<512xi32, #tpu.memory_space<vmem>> -> memref<64xi32, #tpu.memory_space<vmem>>
    %dma_start3A_63 = arith.constant 0 : i32
    %dma_start3A_64 = arith.constant 0 : i32
    %dma_start3A_65 = tpu.memref_slice %arg3[%dma_start3A_63, %dma_start3A_64] : memref<1000000x64xf32, #tpu.memory_space<hbm>> -> memref<1000000x64xf32, #tpu.memory_space<hbm>>
    tpu.enqueue_indirect_dma source(%dma_start3A_65 : memref<1000000x64xf32, #tpu.memory_space<hbm>>) target(%dma_start3A_60 : memref<64x64xf32, #tpu.memory_space<vmem>>) offsets(%dma_start3A_62 : memref<64xi32, #tpu.memory_space<vmem>>) semaphore(%arg7 : memref<!tpu.dma_semaphore, #tpu.memory_space<semaphore_mem>>)
    %dma_wait3A = arith.constant 0 : i32
    %dma_wait3A_66 = arith.constant 0 : i32
    %dma_wait3A_67 = tpu.memref_slice %arg6[%dma_wait3A, %dma_wait3A_66] : memref<512x64xf32, #tpu.memory_space<vmem>> -> memref<64x64xf32, #tpu.memory_space<vmem>>
    %dma_wait3A_68 = arith.constant 0 : i32
    %dma_wait3A_69 = tpu.memref_slice %arg5[%dma_wait3A_68] : memref<512xi32, #tpu.memory_space<vmem>> -> memref<64xi32, #tpu.memory_space<vmem>>
    %dma_wait3A_70 = arith.constant 0 : i32
    %dma_wait3A_71 = arith.constant 0 : i32
    %dma_wait3A_72 = tpu.memref_slice %arg3[%dma_wait3A_70, %dma_wait3A_71] : memref<1000000x64xf32, #tpu.memory_space<hbm>> -> memref<1000000x64xf32, #tpu.memory_space<hbm>>
    tpu.wait_indirect_dma semaphore(%arg7 : memref<!tpu.dma_semaphore, #tpu.memory_space<semaphore_mem>>) src(%dma_wait3A_72 : memref<1000000x64xf32, #tpu.memory_space<hbm>>) dst(%dma_wait3A_67 : memref<64x64xf32, #tpu.memory_space<vmem>>)
    %dma_wait3A_73 = arith.constant 64 : i32
    %dma_wait3A_74 = arith.constant 0 : i32
    %dma_wait3A_75 = tpu.memref_slice %arg6[%dma_wait3A_73, %dma_wait3A_74] : memref<512x64xf32, #tpu.memory_space<vmem>> -> memref<64x64xf32, #tpu.memory_space<vmem>>
    %dma_wait3A_76 = arith.constant 64 : i32
    %dma_wait3A_77 = tpu.memref_slice %arg5[%dma_wait3A_76] : memref<512xi32, #tpu.memory_space<vmem>> -> memref<64xi32, #tpu.memory_space<vmem>>
    %dma_wait3A_78 = arith.constant 0 : i32
    %dma_wait3A_79 = arith.constant 0 : i32
    %dma_wait3A_80 = tpu.memref_slice %arg3[%dma_wait3A_78, %dma_wait3A_79] : memref<1000000x64xf32, #tpu.memory_space<hbm>> -> memref<1000000x64xf32, #tpu.memory_space<hbm>>
    tpu.wait_indirect_dma semaphore(%arg7 : memref<!tpu.dma_semaphore, #tpu.memory_space<semaphore_mem>>) src(%dma_wait3A_80 : memref<1000000x64xf32, #tpu.memory_space<hbm>>) dst(%dma_wait3A_75 : memref<64x64xf32, #tpu.memory_space<vmem>>)
    %dma_wait3A_81 = arith.constant 128 : i32
    %dma_wait3A_82 = arith.constant 0 : i32
    %dma_wait3A_83 = tpu.memref_slice %arg6[%dma_wait3A_81, %dma_wait3A_82] : memref<512x64xf32, #tpu.memory_space<vmem>> -> memref<64x64xf32, #tpu.memory_space<vmem>>
    %dma_wait3A_84 = arith.constant 128 : i32
    %dma_wait3A_85 = tpu.memref_slice %arg5[%dma_wait3A_84] : memref<512xi32, #tpu.memory_space<vmem>> -> memref<64xi32, #tpu.memory_space<vmem>>
    %dma_wait3A_86 = arith.constant 0 : i32
    %dma_wait3A_87 = arith.constant 0 : i32
    %dma_wait3A_88 = tpu.memref_slice %arg3[%dma_wait3A_86, %dma_wait3A_87] : memref<1000000x64xf32, #tpu.memory_space<hbm>> -> memref<1000000x64xf32, #tpu.memory_space<hbm>>
    tpu.wait_indirect_dma semaphore(%arg7 : memref<!tpu.dma_semaphore, #tpu.memory_space<semaphore_mem>>) src(%dma_wait3A_88 : memref<1000000x64xf32, #tpu.memory_space<hbm>>) dst(%dma_wait3A_83 : memref<64x64xf32, #tpu.memory_space<vmem>>)
    %dma_wait3A_89 = arith.constant 192 : i32
    %dma_wait3A_90 = arith.constant 0 : i32
    %dma_wait3A_91 = tpu.memref_slice %arg6[%dma_wait3A_89, %dma_wait3A_90] : memref<512x64xf32, #tpu.memory_space<vmem>> -> memref<64x64xf32, #tpu.memory_space<vmem>>
    %dma_wait3A_92 = arith.constant 192 : i32
    %dma_wait3A_93 = tpu.memref_slice %arg5[%dma_wait3A_92] : memref<512xi32, #tpu.memory_space<vmem>> -> memref<64xi32, #tpu.memory_space<vmem>>
    %dma_wait3A_94 = arith.constant 0 : i32
    %dma_wait3A_95 = arith.constant 0 : i32
    %dma_wait3A_96 = tpu.memref_slice %arg3[%dma_wait3A_94, %dma_wait3A_95] : memref<1000000x64xf32, #tpu.memory_space<hbm>> -> memref<1000000x64xf32, #tpu.memory_space<hbm>>
    tpu.wait_indirect_dma semaphore(%arg7 : memref<!tpu.dma_semaphore, #tpu.memory_space<semaphore_mem>>) src(%dma_wait3A_96 : memref<1000000x64xf32, #tpu.memory_space<hbm>>) dst(%dma_wait3A_91 : memref<64x64xf32, #tpu.memory_space<vmem>>)
    %dma_wait3A_97 = arith.constant 256 : i32
    %dma_wait3A_98 = arith.constant 0 : i32
    %dma_wait3A_99 = tpu.memref_slice %arg6[%dma_wait3A_97, %dma_wait3A_98] : memref<512x64xf32, #tpu.memory_space<vmem>> -> memref<64x64xf32, #tpu.memory_space<vmem>>
    %dma_wait3A_100 = arith.constant 256 : i32
    %dma_wait3A_101 = tpu.memref_slice %arg5[%dma_wait3A_100] : memref<512xi32, #tpu.memory_space<vmem>> -> memref<64xi32, #tpu.memory_space<vmem>>
    %dma_wait3A_102 = arith.constant 0 : i32
    %dma_wait3A_103 = arith.constant 0 : i32
    %dma_wait3A_104 = tpu.memref_slice %arg3[%dma_wait3A_102, %dma_wait3A_103] : memref<1000000x64xf32, #tpu.memory_space<hbm>> -> memref<1000000x64xf32, #tpu.memory_space<hbm>>
    tpu.wait_indirect_dma semaphore(%arg7 : memref<!tpu.dma_semaphore, #tpu.memory_space<semaphore_mem>>) src(%dma_wait3A_104 : memref<1000000x64xf32, #tpu.memory_space<hbm>>) dst(%dma_wait3A_99 : memref<64x64xf32, #tpu.memory_space<vmem>>)
    %dma_wait3A_105 = arith.constant 320 : i32
    %dma_wait3A_106 = arith.constant 0 : i32
    %dma_wait3A_107 = tpu.memref_slice %arg6[%dma_wait3A_105, %dma_wait3A_106] : memref<512x64xf32, #tpu.memory_space<vmem>> -> memref<64x64xf32, #tpu.memory_space<vmem>>
    %dma_wait3A_108 = arith.constant 320 : i32
    %dma_wait3A_109 = tpu.memref_slice %arg5[%dma_wait3A_108] : memref<512xi32, #tpu.memory_space<vmem>> -> memref<64xi32, #tpu.memory_space<vmem>>
    %dma_wait3A_110 = arith.constant 0 : i32
    %dma_wait3A_111 = arith.constant 0 : i32
    %dma_wait3A_112 = tpu.memref_slice %arg3[%dma_wait3A_110, %dma_wait3A_111] : memref<1000000x64xf32, #tpu.memory_space<hbm>> -> memref<1000000x64xf32, #tpu.memory_space<hbm>>
    tpu.wait_indirect_dma semaphore(%arg7 : memref<!tpu.dma_semaphore, #tpu.memory_space<semaphore_mem>>) src(%dma_wait3A_112 : memref<1000000x64xf32, #tpu.memory_space<hbm>>) dst(%dma_wait3A_107 : memref<64x64xf32, #tpu.memory_space<vmem>>)
    %dma_wait3A_113 = arith.constant 384 : i32
    %dma_wait3A_114 = arith.constant 0 : i32
    %dma_wait3A_115 = tpu.memref_slice %arg6[%dma_wait3A_113, %dma_wait3A_114] : memref<512x64xf32, #tpu.memory_space<vmem>> -> memref<64x64xf32, #tpu.memory_space<vmem>>
    %dma_wait3A_116 = arith.constant 384 : i32
    %dma_wait3A_117 = tpu.memref_slice %arg5[%dma_wait3A_116] : memref<512xi32, #tpu.memory_space<vmem>> -> memref<64xi32, #tpu.memory_space<vmem>>
    %dma_wait3A_118 = arith.constant 0 : i32
    %dma_wait3A_119 = arith.constant 0 : i32
    %dma_wait3A_120 = tpu.memref_slice %arg3[%dma_wait3A_118, %dma_wait3A_119] : memref<1000000x64xf32, #tpu.memory_space<hbm>> -> memref<1000000x64xf32, #tpu.memory_space<hbm>>
    tpu.wait_indirect_dma semaphore(%arg7 : memref<!tpu.dma_semaphore, #tpu.memory_space<semaphore_mem>>) src(%dma_wait3A_120 : memref<1000000x64xf32, #tpu.memory_space<hbm>>) dst(%dma_wait3A_115 : memref<64x64xf32, #tpu.memory_space<vmem>>)
    %dma_wait3A_121 = arith.constant 448 : i32
    %dma_wait3A_122 = arith.constant 0 : i32
    %dma_wait3A_123 = tpu.memref_slice %arg6[%dma_wait3A_121, %dma_wait3A_122] : memref<512x64xf32, #tpu.memory_space<vmem>> -> memref<64x64xf32, #tpu.memory_space<vmem>>
    %dma_wait3A_124 = arith.constant 448 : i32
    %dma_wait3A_125 = tpu.memref_slice %arg5[%dma_wait3A_124] : memref<512xi32, #tpu.memory_space<vmem>> -> memref<64xi32, #tpu.memory_space<vmem>>
    %dma_wait3A_126 = arith.constant 0 : i32
    %dma_wait3A_127 = arith.constant 0 : i32
    %dma_wait3A_128 = tpu.memref_slice %arg3[%dma_wait3A_126, %dma_wait3A_127] : memref<1000000x64xf32, #tpu.memory_space<hbm>> -> memref<1000000x64xf32, #tpu.memory_space<hbm>>
    tpu.wait_indirect_dma semaphore(%arg7 : memref<!tpu.dma_semaphore, #tpu.memory_space<semaphore_mem>>) src(%dma_wait3A_128 : memref<1000000x64xf32, #tpu.memory_space<hbm>>) dst(%dma_wait3A_123 : memref<64x64xf32, #tpu.memory_space<vmem>>)
    "tpu.region"() ({
      %run_scoped3A = tpu.sem_alloc : memref<!tpu.dma_semaphore, #tpu.memory_space<semaphore_mem>>
      %dma_start3A_129 = arith.constant 0 : i32
      %dma_start3A_130 = tpu.memref_slice %arg4[%mul3A_2, %dma_start3A_129] : memref<16384x64xf32, #tpu.memory_space<hbm>> -> memref<512x64xf32, #tpu.memory_space<hbm>>
      %dma_start3A_131 = arith.constant 0 : i32
      %dma_start3A_132 = tpu.memref_slice %arg4[%mul3A_2, %dma_start3A_131] : memref<16384x64xf32, #tpu.memory_space<hbm>> -> memref<512x64xf32, #tpu.memory_space<hbm>>
      tpu.enqueue_dma source(%arg6 : memref<512x64xf32, #tpu.memory_space<vmem>>) target(%dma_start3A_132 : memref<512x64xf32, #tpu.memory_space<hbm>>) target_semaphore(%run_scoped3A : memref<!tpu.dma_semaphore, #tpu.memory_space<semaphore_mem>>)
      %dma_wait3A_133 = arith.constant 0 : i32
      %dma_wait3A_134 = tpu.memref_slice %arg4[%mul3A_2, %dma_wait3A_133] : memref<16384x64xf32, #tpu.memory_space<hbm>> -> memref<512x64xf32, #tpu.memory_space<hbm>>
      %dma_wait3A_135 = arith.constant 0 : i32
      %dma_wait3A_136 = tpu.memref_slice %arg4[%mul3A_2, %dma_wait3A_135] : memref<16384x64xf32, #tpu.memory_space<hbm>> -> memref<512x64xf32, #tpu.memory_space<hbm>>
      tpu.wait_dma2 semaphore(%run_scoped3A : memref<!tpu.dma_semaphore, #tpu.memory_space<semaphore_mem>>) src(%arg6 : memref<512x64xf32, #tpu.memory_space<vmem>>) dst(%dma_wait3A_136 : memref<512x64xf32, #tpu.memory_space<hbm>>)
      tpu.yield
    }) : () -> ()
    return
  }
}

module attributes {stable_mosaic.version = 14 : i64} {
  func.func @_mlp_body(%arg0: i32, %arg1: memref<2048x64xf32, #tpu.memory_space<vmem>>, %arg2: memref<1x1x2048xi32, #tpu.memory_space<vmem>>, %arg3: memref<1x1x2048xi32, #tpu.memory_space<vmem>>, %arg4: memref<64x512xf32, #tpu.memory_space<vmem>>, %arg5: memref<8x64xf32, #tpu.memory_space<vmem>>, %arg6: memref<64x512xf32, #tpu.memory_space<vmem>>, %arg7: memref<104x64xf32, #tpu.memory_space<vmem>>, %arg8: memref<64x512xf32, #tpu.memory_space<vmem>>, %arg9: memref<1x512xf32, #tpu.memory_space<vmem>>, %arg10: memref<512x512xf32, #tpu.memory_space<vmem>>, %arg11: memref<1x512xf32, #tpu.memory_space<vmem>>, %arg12: memref<2048x512xf32, #tpu.memory_space<vmem>>) attributes {dimension_semantics = [#tpu.dimension_semantics<parallel>], iteration_bounds = array<i64: 8>, scalar_prefetch = 0 : i64, scratch_operands = 0 : i64, tpu.core_type = #tpu.core_type<tc>, window_params = [{transform_indices = @transform_0, window_bounds = array<i64: 2048, 64>}, {transform_indices = @transform_1, window_bounds = array<i64: 1, 1, 2048>}, {transform_indices = @transform_2, window_bounds = array<i64: 1, 1, 2048>}, {pipeline_mode = #tpu.pipeline_mode<synchronous>, transform_indices = @transform_3, window_bounds = array<i64: 64, 512>}, {pipeline_mode = #tpu.pipeline_mode<synchronous>, transform_indices = @transform_4, window_bounds = array<i64: 8, 64>}, {pipeline_mode = #tpu.pipeline_mode<synchronous>, transform_indices = @transform_5, window_bounds = array<i64: 64, 512>}, {pipeline_mode = #tpu.pipeline_mode<synchronous>, transform_indices = @transform_6, window_bounds = array<i64: 104, 64>}, {pipeline_mode = #tpu.pipeline_mode<synchronous>, transform_indices = @transform_7, window_bounds = array<i64: 64, 512>}, {pipeline_mode = #tpu.pipeline_mode<synchronous>, transform_indices = @transform_8, window_bounds = array<i64: 1, 512>}, {pipeline_mode = #tpu.pipeline_mode<synchronous>, transform_indices = @transform_9, window_bounds = array<i64: 512, 512>}, {pipeline_mode = #tpu.pipeline_mode<synchronous>, transform_indices = @transform_10, window_bounds = array<i64: 1, 512>}, {transform_indices = @transform_11, window_bounds = array<i64: 2048, 512>}]} {
    %get3A = arith.constant 0 : index
    %get3A_0 = arith.constant 0 : index
    %get3A_1 = vector.load %arg1[%get3A, %get3A_0] : memref<2048x64xf32, #tpu.memory_space<vmem>>, vector<2048x64xf32>
    %convert_element_type3A = arith.truncf %get3A_1 : vector<2048x64xf32> to vector<2048x64xbf16>
    %get3A_2 = arith.constant 0 : index
    %get3A_3 = arith.constant 0 : index
    %get3A_4 = vector.load %arg4[%get3A_2, %get3A_3] : memref<64x512xf32, #tpu.memory_space<vmem>>, vector<64x512xf32>
    %convert_element_type3A_5 = arith.truncf %get3A_4 : vector<64x512xf32> to vector<64x512xbf16>
    %dot_general3A = arith.constant dense<0.000000e+00> : vector<2048x512xf32>
    %dot_general3A_6 = tpu.matmul %convert_element_type3A, %convert_element_type3A_5, %dot_general3A {dimension_numbers = #tpu.dot_dimension_numbers<[1], [0], [0], [1], [0, 0, 1, 1], [], []>, transpose_lhs_hint = false} : vector<2048x64xbf16>, vector<64x512xbf16>, vector<2048x512xf32> -> vector<2048x512xf32>
    %get3A_7 = arith.constant 0 : index
    %get3A_8 = arith.constant 0 : index
    %get3A_9 = vector.load %arg5[%get3A_7, %get3A_8] : memref<8x64xf32, #tpu.memory_space<vmem>>, vector<8x64xf32>
    %convert_element_type3A_10 = arith.truncf %get3A_9 : vector<8x64xf32> to vector<8x64xbf16>
    %get3A_11 = arith.constant 0 : index
    %get3A_12 = arith.constant 0 : index
    %get3A_13 = vector.load %arg6[%get3A_11, %get3A_12] : memref<64x512xf32, #tpu.memory_space<vmem>>, vector<64x512xf32>
    %convert_element_type3A_14 = arith.truncf %get3A_13 : vector<64x512xf32> to vector<64x512xbf16>
    %dot_general3A_15 = arith.constant dense<0.000000e+00> : vector<8x512xf32>
    %dot_general3A_16 = tpu.matmul %convert_element_type3A_10, %convert_element_type3A_14, %dot_general3A_15 {dimension_numbers = #tpu.dot_dimension_numbers<[1], [0], [0], [1], [0, 0, 1, 1], [], []>, transpose_lhs_hint = false} : vector<8x64xbf16>, vector<64x512xbf16>, vector<8x512xf32> -> vector<8x512xf32>
    %convert_element_type3A_17 = arith.truncf %dot_general3A_16 : vector<8x512xf32> to vector<8x512xbf16>
    %get3A_18 = arith.constant 0 : index
    %get3A_19 = arith.constant 0 : index
    %get3A_20 = vector.load %arg7[%get3A_18, %get3A_19] : memref<104x64xf32, #tpu.memory_space<vmem>>, vector<104x64xf32>
    %convert_element_type3A_21 = arith.truncf %get3A_20 : vector<104x64xf32> to vector<104x64xbf16>
    %get3A_22 = arith.constant 0 : index
    %get3A_23 = arith.constant 0 : index
    %get3A_24 = vector.load %arg8[%get3A_22, %get3A_23] : memref<64x512xf32, #tpu.memory_space<vmem>>, vector<64x512xf32>
    %convert_element_type3A_25 = arith.truncf %get3A_24 : vector<64x512xf32> to vector<64x512xbf16>
    %dot_general3A_26 = arith.constant dense<0.000000e+00> : vector<104x512xf32>
    %dot_general3A_27 = tpu.matmul %convert_element_type3A_21, %convert_element_type3A_25, %dot_general3A_26 {dimension_numbers = #tpu.dot_dimension_numbers<[1], [0], [0], [1], [0, 0, 1, 1], [], []>, transpose_lhs_hint = false} : vector<104x64xbf16>, vector<64x512xbf16>, vector<104x512xf32> -> vector<104x512xf32>
    %convert_element_type3A_28 = arith.truncf %dot_general3A_27 : vector<104x512xf32> to vector<104x512xbf16>
    %get3A_29 = arith.constant 0 : index
    %get3A_30 = arith.constant 0 : index
    %get3A_31 = arith.constant 0 : index
    %get3A_32 = vector.load %arg2[%get3A_29, %get3A_30, %get3A_31] : memref<1x1x2048xi32, #tpu.memory_space<vmem>>, vector<1x1x2048xi32>
    %get3A_33 = vector.shape_cast %get3A_32 : vector<1x1x2048xi32> to vector<2048xi32>
    %get3A_34 = arith.constant 0 : index
    %get3A_35 = arith.constant 0 : index
    %get3A_36 = arith.constant 0 : index
    %get3A_37 = vector.load %arg3[%get3A_34, %get3A_35, %get3A_36] : memref<1x1x2048xi32, #tpu.memory_space<vmem>>, vector<1x1x2048xi32>
    %get3A_38 = vector.shape_cast %get3A_37 : vector<1x1x2048xi32> to vector<2048xi32>
    %iota3A = tpu.iota {dimensions = array<i32: 1>} : vector<2048x8xi32>
    %broadcast_in_dim3A = vector.shape_cast %get3A_33 : vector<2048xi32> to vector<2048x1xi32>
    %eq3A = vector.broadcast %broadcast_in_dim3A : vector<2048x1xi32> to vector<2048x8xi32>
    %eq3A_39 = arith.cmpi eq, %iota3A, %eq3A : vector<2048x8xi32>
    %convert_element_type3A_40 = arith.extui %eq3A_39 : vector<2048x8xi1> to vector<2048x8xi32>
    %convert_element_type3A_41 = arith.sitofp %convert_element_type3A_40 : vector<2048x8xi32> to vector<2048x8xf32>
    %convert_element_type3A_42 = arith.truncf %convert_element_type3A_41 : vector<2048x8xf32> to vector<2048x8xbf16>
    %iota3A_43 = tpu.iota {dimensions = array<i32: 1>} : vector<2048x104xi32>
    %broadcast_in_dim3A_44 = vector.shape_cast %get3A_38 : vector<2048xi32> to vector<2048x1xi32>
    %eq3A_45 = vector.broadcast %broadcast_in_dim3A_44 : vector<2048x1xi32> to vector<2048x104xi32>
    %eq3A_46 = arith.cmpi eq, %iota3A_43, %eq3A_45 : vector<2048x104xi32>
    %convert_element_type3A_47 = arith.extui %eq3A_46 : vector<2048x104xi1> to vector<2048x104xi32>
    %convert_element_type3A_48 = arith.sitofp %convert_element_type3A_47 : vector<2048x104xi32> to vector<2048x104xf32>
    %convert_element_type3A_49 = arith.truncf %convert_element_type3A_48 : vector<2048x104xf32> to vector<2048x104xbf16>
    %dot_general3A_50 = arith.constant dense<0.000000e+00> : vector<2048x512xf32>
    %dot_general3A_51 = tpu.matmul %convert_element_type3A_42, %convert_element_type3A_17, %dot_general3A_50 {dimension_numbers = #tpu.dot_dimension_numbers<[1], [0], [0], [1], [0, 0, 1, 1], [], []>, transpose_lhs_hint = false} : vector<2048x8xbf16>, vector<8x512xbf16>, vector<2048x512xf32> -> vector<2048x512xf32>
    %add3A = arith.addf %dot_general3A_6, %dot_general3A_51 : vector<2048x512xf32>
    %dot_general3A_52 = arith.constant dense<0.000000e+00> : vector<2048x512xf32>
    %dot_general3A_53 = tpu.matmul %convert_element_type3A_49, %convert_element_type3A_28, %dot_general3A_52 {dimension_numbers = #tpu.dot_dimension_numbers<[1], [0], [0], [1], [0, 0, 1, 1], [], []>, transpose_lhs_hint = false} : vector<2048x104xbf16>, vector<104x512xbf16>, vector<2048x512xf32> -> vector<2048x512xf32>
    %add3A_54 = arith.addf %add3A, %dot_general3A_53 : vector<2048x512xf32>
    %get3A_55 = arith.constant 0 : index
    %get3A_56 = arith.constant 0 : index
    %get3A_57 = vector.load %arg9[%get3A_55, %get3A_56] : memref<1x512xf32, #tpu.memory_space<vmem>>, vector<1x512xf32>
    %add3A_58 = vector.broadcast %get3A_57 : vector<1x512xf32> to vector<2048x512xf32>
    %add3A_59 = arith.addf %add3A_54, %add3A_58 : vector<2048x512xf32>
    %ge3A = arith.constant 0.000000e+00 : f32
    %ge3A_60 = vector.broadcast %ge3A : f32 to vector<2048x512xf32>
    %ge3A_61 = arith.cmpf oge, %add3A_59, %ge3A_60 : vector<2048x512xf32>
    %mul3A = arith.constant 0.00999999977 : f32
    %mul3A_62 = vector.broadcast %mul3A : f32 to vector<2048x512xf32>
    %mul3A_63 = arith.mulf %mul3A_62, %add3A_59 : vector<2048x512xf32>
    %select_n3A = arith.select %ge3A_61, %add3A_59, %mul3A_63 : vector<2048x512xi1>, vector<2048x512xf32>
    %convert_element_type3A_64 = arith.truncf %select_n3A : vector<2048x512xf32> to vector<2048x512xbf16>
    %get3A_65 = arith.constant 0 : index
    %get3A_66 = arith.constant 0 : index
    %get3A_67 = vector.load %arg10[%get3A_65, %get3A_66] : memref<512x512xf32, #tpu.memory_space<vmem>>, vector<512x512xf32>
    %convert_element_type3A_68 = arith.truncf %get3A_67 : vector<512x512xf32> to vector<512x512xbf16>
    %dot_general3A_69 = arith.constant dense<0.000000e+00> : vector<2048x512xf32>
    %dot_general3A_70 = tpu.matmul %convert_element_type3A_64, %convert_element_type3A_68, %dot_general3A_69 {dimension_numbers = #tpu.dot_dimension_numbers<[1], [0], [0], [1], [0, 0, 1, 1], [], []>, transpose_lhs_hint = false} : vector<2048x512xbf16>, vector<512x512xbf16>, vector<2048x512xf32> -> vector<2048x512xf32>
    %get3A_71 = arith.constant 0 : index
    %get3A_72 = arith.constant 0 : index
    %get3A_73 = vector.load %arg11[%get3A_71, %get3A_72] : memref<1x512xf32, #tpu.memory_space<vmem>>, vector<1x512xf32>
    %add3A_74 = vector.broadcast %get3A_73 : vector<1x512xf32> to vector<2048x512xf32>
    %add3A_75 = arith.addf %dot_general3A_70, %add3A_74 : vector<2048x512xf32>
    %swap3A = arith.constant 0 : index
    %swap3A_76 = arith.constant 0 : index
    %swap3A_77 = vector.load %arg12[%swap3A, %swap3A_76] : memref<2048x512xf32, #tpu.memory_space<vmem>>, vector<2048x512xf32>
    tpu.vector_store %arg12[%swap3A, %swap3A_76], %add3A_75 {strides = array<i32>} : memref<2048x512xf32, #tpu.memory_space<vmem>>, vector<2048x512xf32>,
    return
  }
  func.func @transform_0(%arg0: i32) -> (i32, i32) {
    %c0_i32 = arith.constant 0 : i32
    %c0_i32_0 = arith.constant 0 : i32
    return %arg0, %c0_i32 : i32, i32
  }
  func.func @transform_1(%arg0: i32) -> (i32, i32, i32) {
    %c0_i32 = arith.constant 0 : i32
    %c0_i32_0 = arith.constant 0 : i32
    %c0_i32_1 = arith.constant 0 : i32
    return %arg0, %c0_i32, %c0_i32_0 : i32, i32, i32
  }
  func.func @transform_2(%arg0: i32) -> (i32, i32, i32) {
    %c0_i32 = arith.constant 0 : i32
    %c0_i32_0 = arith.constant 0 : i32
    %c0_i32_1 = arith.constant 0 : i32
    return %arg0, %c0_i32, %c0_i32_0 : i32, i32, i32
  }
  func.func @transform_3(%arg0: i32) -> (i32, i32) {
    %c0_i32 = arith.constant 0 : i32
    %c0_i32_0 = arith.constant 0 : i32
    %c0_i32_1 = arith.constant 0 : i32
    return %c0_i32, %c0_i32_0 : i32, i32
  }
  func.func @transform_4(%arg0: i32) -> (i32, i32) {
    %c0_i32 = arith.constant 0 : i32
    %c0_i32_0 = arith.constant 0 : i32
    %c0_i32_1 = arith.constant 0 : i32
    return %c0_i32, %c0_i32_0 : i32, i32
  }
  func.func @transform_5(%arg0: i32) -> (i32, i32) {
    %c0_i32 = arith.constant 0 : i32
    %c0_i32_0 = arith.constant 0 : i32
    %c0_i32_1 = arith.constant 0 : i32
    return %c0_i32, %c0_i32_0 : i32, i32
  }
  func.func @transform_6(%arg0: i32) -> (i32, i32) {
    %c0_i32 = arith.constant 0 : i32
    %c0_i32_0 = arith.constant 0 : i32
    %c0_i32_1 = arith.constant 0 : i32
    return %c0_i32, %c0_i32_0 : i32, i32
  }
  func.func @transform_7(%arg0: i32) -> (i32, i32) {
    %c0_i32 = arith.constant 0 : i32
    %c0_i32_0 = arith.constant 0 : i32
    %c0_i32_1 = arith.constant 0 : i32
    return %c0_i32, %c0_i32_0 : i32, i32
  }
  func.func @transform_8(%arg0: i32) -> (i32, i32) {
    %c0_i32 = arith.constant 0 : i32
    %c0_i32_0 = arith.constant 0 : i32
    %c0_i32_1 = arith.constant 0 : i32
    return %c0_i32, %c0_i32_0 : i32, i32
  }
  func.func @transform_9(%arg0: i32) -> (i32, i32) {
    %c0_i32 = arith.constant 0 : i32
    %c0_i32_0 = arith.constant 0 : i32
    %c0_i32_1 = arith.constant 0 : i32
    return %c0_i32, %c0_i32_0 : i32, i32
  }
  func.func @transform_10(%arg0: i32) -> (i32, i32) {
    %c0_i32 = arith.constant 0 : i32
    %c0_i32_0 = arith.constant 0 : i32
    %c0_i32_1 = arith.constant 0 : i32
    return %c0_i32, %c0_i32_0 : i32, i32
  }
  func.func @transform_11(%arg0: i32) -> (i32, i32) {
    %c0_i32 = arith.constant 0 : i32
    %c0_i32_0 = arith.constant 0 : i32
    return %arg0, %c0_i32 : i32, i32
  }
}

</mosaic_0001>

<sc_bundles>
// kernel: kernel.4.cloned.1.call-start
scs
__scs_entry_jumppad:
0x0: {  	(pc) =	sbr.rel $0x88, $3  }
0x1: {  	(tag) =	ssettag $0x0;
	lr =	simm.s32 $0x1  }
0x2: {  	[smem:$0x3F97] =	sst lr;
	_ =	strace $0xD0000000  }
0x3: {  	_ = 	snop  }
0x4: {  	_ = 	snop  }
0x5: {  	_ = 	snop  }
0x6: {  	_ = 	snop  }
0x7: {  	_ = 	snop  }
__scs_overlays_trampoline_lowered:
0x8: {  	[smem:$0x3FA6] =	sst s0  }
0x9: {  	[smem:$0x3FA7] =	sst s1  }
0xa: {  	[smem:$0x3FA8] =	sst s2  }
0xb: {  	[smem:$0x3FA9] =	sst s3  }
0xc: {  	[smem:$0x3FAA] =	sst s4  }
0xd: {  	[smem:$0x3FAB] =	sst s5  }
0xe: {  	[smem:$0x3FAC] =	sst s6  }
0xf: {  	[smem:$0x3FAD] =	sst s7  }
0x10: {  	[smem:$0x3FAE] =	sst s8  }
0x11: {  	[smem:$0x3FAF] =	sst s9;
	s0 =	simm.s32 @!p0 $0x0  }
0x12: {  	s1 =	sld [smem:$0x3F95];
	s0 =	simm.s32 @p0 $0x1  }
0x13: {  	[smem:$0x3FB0] =	sst s0;
	s0 =	simm.s32 @!p1 $0x0  }
0x14: {  	s2 =	sld [smem:$0x3F94];
	s0 =	simm.s32 @p1 $0x1  }
0x15: {  	[smem:$0x3FB1] =	sst s0;
	s0 =	simm.s32 @!p2 $0x0  }
0x16: {  	s3 =	sld [smem:$0x3FDB];
	s0 =	simm.s32 @p2 $0x1  }
0x17: {  	s4 =	simm.s32 $0x1BF5;
	[smem:$0x3FB3] =	sst s0  }
0x18: {  	s0 =	sld [smem:$0x3F96];
	_ =	swait.ge [sflag:s4], $0x0  }
0x19: {  	s7 =	sld [smem:$0x3F97]  }
0x1a: {  	s8 =	sadd.s32 $0xFFFFE003, lr  }
0x1b: {  	s9 =	sadd.s32 $0xFFFFFEF7, lr;
	s5 =	simm.s32 $0xFFFFFFFF;
	p2 =	slt.u32 s8, $0xFFFFF086  }
0x1c: {  	p1 =	slt.u32 s9, $0xF7A;
	s5 =	simm.s32 @!p2 $0x0  }
0x1d: {  	s5 =	simm.s32 @p1 $0x1;
	p0 =	seq.s32 s7, s2  }
0x1e: {  	s7 =	smul.u32 @!p0 $0xF7A, s2;
	p2 =	seq.s32 @!p0 s5, $0x0  }
0x1f: {  	s9 =	smul.u32 $0xF7A, s1;
	s8 =	simm.s32 @!p0 $0x1BF5;
	p2 =	por !p2, p0  }
0x20: {  	[sflag:s8] =	ssyncset.s32 @!p0 $0xFFFFF086;
	s6 =	sadd.s32 @!p0 s3, s7;
	s7 =	simm.s32 @!p0 $0x108  }
0x21: {  	s3 =	sadd.s32 s3, s9;
	s6 =	sadd.s32 @!p0 $0x88, s6;
	s7 =	simm.s32 @p2 $0x1082  }
0x22: {  	[simem:s7], [sflag:s8] =	dma.local @!p0 [hbm:s6], $0xF7A  }
0x23: {  	s9 =	sor.u32 $0xD0000000, s2;
	s6 =	simm.s32 $0x108;
	_ =	swait.ge @!p0 [sflag:s8], $0x0  }
0x24: {  	s3 =	sadd.s32 $0x88, s3;
	s6 =	simm.s32 @!p1 $0x1082;
	[sflag:s4] =	ssyncset.s32 $0xFFFFF086  }
0x25: {  	[simem:s6], [sflag:s4] =	dma.local [hbm:s3], $0xF7A  }
0x26: {  	[smem:$0x3F97] =	sst s1;
	(tag) =	ssettag s2;
	_ =	strace s9  }
0x27: {  	s1 =	sld [smem:$0x3FA7]  }
0x28: {  	s2 =	sld [smem:$0x3FA8]  }
0x29: {  	s4 =	sld [smem:$0x3FAA]  }
0x2a: {  	p0 =	seq.s32 s5, $0x0;
	s5 =	sld [smem:$0x3FAB]  }
0x2b: {  	s6 =	sld [smem:$0x3FAC]  }
0x2c: {  	s7 =	sld [smem:$0x3FAD]  }
0x2d: {  	s3 =	simm.s32 $0x108;
	s8 =	sld [smem:$0x3FAE]  }
0x2e: {  	s3 =	simm.s32 @!p0 $0x1082;
	s9 =	sld [smem:$0x3FAF]  }
0x2f: {  	lr =	sadd.s32 s0, s3;
	s0 =	sld [smem:$0x3FA6]  }
0x30: {  	s3 =	sld [smem:$0x3FA9]  }
0x31: {  	[smem:$0x3FB2] =	sst s10  }
0x32: {  	s10 =	sld [smem:$0x3FB0];
	_ =	sdelay $0x3  }
0x33: {  	p0 =	seq.s32 s10, $0x1;
	s10 =	sld [smem:$0x3FB2];
	_ =	sdelay $0x3  }
0x34: {  	[smem:$0x3FB2] =	sst s10  }
0x35: {  	s10 =	sld [smem:$0x3FB1];
	_ =	sdelay $0x3  }
0x36: {  	p1 =	seq.s32 s10, $0x1;
	s10 =	sld [smem:$0x3FB2];
	_ =	sdelay $0x3  }
0x37: {  	[smem:$0x3FB2] =	sst s10  }
0x38: {  	s10 =	sld [smem:$0x3FB3]  }
0x39: {  	_ = 	snop;
	(pc) =	sbr.ind lr, $3  }
0x3a: {  	_ = 	snop  }
0x3b: {  	_ = 	snop  }
0x3c: {  	p2 =	seq.s32 s10, $0x1;
	s10 =	sld [smem:$0x3FB2]  }
0x3d: {  	_ =	shalt  }
0x3e: {  	_ =	shalt  }
0x3f: {  	_ =	shalt  }
0x40: {  	_ =	shalt  }
0x41: {  	_ =	shalt  }
0x42: {  	_ =	shalt  }
0x43: {  	_ =	shalt  }
0x44: {  	_ =	shalt  }
0x45: {  	_ =	shalt  }
0x46: {  	_ =	shalt  }
0x47: {  	_ =	shalt  }
0x48: {  	_ =	shalt  }
0x49: {  	_ =	shalt  }
0x4a: {  	_ =	shalt  }
0x4b: {  	_ =	shalt  }
0x4c: {  	_ =	shalt  }
0x4d: {  	_ =	shalt  }
0x4e: {  	_ =	shalt  }
0x4f: {  	_ =	shalt  }
0x50: {  	_ =	shalt  }
0x51: {  	_ =	shalt  }
0x52: {  	_ =	shalt  }
0x53: {  	_ =	shalt  }
0x54: {  	_ =	shalt  }
0x55: {  	_ =	shalt  }
0x56: {  	_ =	shalt  }
0x57: {  	_ =	shalt  }
0x58: {  	_ =	shalt  }
0x59: {  	_ =	shalt  }
0x5a: {  	_ =	shalt  }
0x5b: {  	_ =	shalt  }
0x5c: {  	_ =	shalt  }
0x5d: {  	_ =	shalt  }
0x5e: {  	_ =	shalt  }
0x5f: {  	_ =	shalt  }
0x60: {  	_ =	shalt  }
0x61: {  	_ =	shalt  }
0x62: {  	_ =	shalt  }
0x63: {  	_ =	shalt  }
0x64: {  	_ =	shalt  }
0x65: {  	_ =	shalt  }
0x66: {  	_ =	shalt  }
0x67: {  	_ =	shalt  }
0x68: {  	_ =	shalt  }
0x69: {  	_ =	shalt  }
0x6a: {  	_ =	shalt  }
0x6b: {  	_ =	shalt  }
0x6c: {  	_ =	shalt  }
0x6d: {  	_ =	shalt  }
0x6e: {  	_ =	shalt  }
0x6f: {  	_ =	shalt  }
0x70: {  	_ =	shalt  }
0x71: {  	_ =	shalt  }
0x72: {  	_ =	shalt  }
0x73: {  	_ =	shalt  }
0x74: {  	_ =	shalt  }
0x75: {  	_ =	shalt  }
0x76: {  	_ =	shalt  }
0x77: {  	_ =	shalt  }
0x78: {  	_ =	shalt  }
0x79: {  	_ =	shalt  }
0x7a: {  	_ =	shalt  }
0x7b: {  	_ =	shalt  }
0x7c: {  	_ =	shalt  }
0x7d: {  	_ =	shalt  }
0x7e: {  	_ =	shalt  }
0x7f: {  	_ =	shalt  }
0x80: {  	_ =	shalt  }
0x81: {  	_ =	shalt  }
0x82: {  	_ =	shalt  }
0x83: {  	_ =	shalt  }
0x84: {  	_ =	shalt  }
0x85: {  	_ =	shalt  }
0x86: {  	_ =	shalt  }
0x87: {  	_ =	shalt  }
.Lfunc_end0:
.L_simem_size_0:
called_computation.1_lowered:
.L_overlay_start_0:
0x88: {  	s2 =	sld [smem:$0x3FD9]  }
0x89: {  	s3 =	sld [smem:$0x3FFE];
	_ =	sdelay $0x1  }
0x8a: {  	s1 =	srdreg.scid  }
0x8b: {  	s0 =	sand.u32 $0x1, s1  }
0x8c: {  	s17 =	sshll.u32 s0, $0xA;
	s2 =	sadd.s32 s3, s2  }
0x8d: {  	s2 =	sadd.s32 s2, s17  }
0x8e: {  	[smem:$0x3FBE] =	sst s2  }
0x8f: {  	_ = 	snop  }
0x90: {  	s2 =	sld [smem:$0x3FC9]  }
0x91: {  	s18 =	sld [smem:$0x3FD0];
	(tm) =	ssettm $0x1  }
0x92: {  	s4 =	sld [smem:$0x3FFB];
	_ =	sdelay $0x3  }
0x93: {  	_ =	strace s4  }
0x94: {  	s4 =	sld [smem:$0x3FFC];
	_ =	sdelay $0x3  }
0x95: {  	_ =	strace s4  }
0x96: {  	s4 =	sld [smem:$0x3FFD];
	_ =	sdelay $0x3  }
0x97: {  	_ =	strace s4  }
0x98: {  	_ =	strace $0x8FFFFFFF  }
0x99: {  	s19 =	sld [smem:$0x3FDB];
	_ =	sdelay $0x1  }
0x9a: {  	s5 =	simm.s32 $_scs_section_size  }
0x9b: {  	s6 =	simm.s32 $_size__tile_overlayer_lowered;
	s7 =	simm.s32 $_tile_overlayer_lowered  }
0x9c: {  	s22 =	simm.s32 $0x1BFF;
	s21 =	sshll.u32 s7, $0x1;
	s4 =	sadd.s32 s5, s19  }
0x9d: {  	s8 =	simm.s32 $0x0;
	s20 =	sshll.u32 s6, $0x1;
	s6 =	sadd.s32 s21, s4  }
0x9e: {  	[timem:s8], [sflag:s22] =	dma.local [hbm:s6], s20  }
0x9f: {  	_ =	swait.ge [sflag:s22], s20  }
0xa0: {  	s5 =	ssub.s32 $0x0, s20;
	[sflag:s22] =	ssyncset.done $0x0  }
0xa1: {  	[sflag:s22] =	ssyncadd.s32 s5;
	_ =	sdelay $0x1  }
0xa2: {  	s23 =	simm.s32 $0x1B8B  }
0xa3: {  	_ =	swait.ge [sflag:s23], $0x1  }
0xa4: {  	[sflag:s23] =	ssyncset.done $0x0  }
0xa5: {  	s25 =	simm.s32 $0x1B8E;
	s24 =	sld [smem:$0x3FFE];
	[sflag:s23] =	ssyncadd.s32 $0xFFFFFFFF  }
0xa6: {  	s26 =	simm.s32 $execute0_lowered;
	[smem:$0x3FD2] =	sst s25  }
0xa7: {  	s6 =	sshll.u32 s26, $0x1;
	_ =	strace $0x80000046;
	[dreg:$0x1] =	wrdreg $0xFFFFFFFF  }
0xa8: {  	s28 =	simm.s32 $_size_execute0_lowered;
	s4 =	sadd.s32 s4, s6;
	[dreg:$0x0] =	wrdreg $0x0  }
0xa9: {  	s6 =	sshll.u32 s28, $0x1;
	[dreg:$0x2] =	wrdreg s4  }
0xaa: {  	[dreg:$0x3] =	wrdreg s6  }
0xab: {  	[dreg:$0x4] =	wrdreg $0xC0  }
0xac: {  	_ =	task [dreg:s8], $0x5FFFF  }
0xad: {  	[dreg:$0x1] =	wrdreg $0xFFFFFFFF  }
0xae: {  	[dreg:$0x0] =	wrdreg $0x60  }
0xaf: {  	[dreg:$0x2] =	wrdreg s2  }
0xb0: {  	[dreg:$0x3] =	wrdreg s24  }
0xb1: {  	[dreg:$0x4] =	wrdreg s18  }
0xb2: {  	[dreg:$0x5] =	wrdreg $0x9  }
0xb3: {  	_ =	task.clear_ibuf [dreg:s8], $0x6FFFF;
	_ =	strace $0x90000046  }
0xb4: {  	s29 =	simm.s32 $0x9;
	_ =	strace $0x80000048  }
0xb5: {  	_ =	swait.ge [sflag:s29], $0x1  }
0xb6: {  	[sflag:s29] =	ssyncadd.s32 $0xFFFFFFFF  }
0xb7: {  	_ =	strace $0x90000048  }
0xb8: {  	_ =	sfence  }
0xb9: {  	s30 =	sld [smem:$0x0];
	_ =	sdelay $0x2  }
0xba: {  	s31 =	sshll.u32 s1, $0xD;
	s1 =	sshrl.u32 s1, $0x2  }
0xbb: {  	s3 =	sand.u32 $0x4000, s31;
	s1 =	sadd.s32 s1, s30  }
0xbc: {  	s0 =	sor.u32 s3, s0;
	s1 =	sshll.u32 s1, $0x11  }
0xbd: {  	s0 =	sor.u32 s1, s0  }
0xbe: {  	s0 =	sadd.s32 $0x8F2B, s0  }
0xbf: {  	[sflag:s0] =	ssyncadd.remote.s32 $0x1  }
0xc0: {  	_ =	sfence.sel $0xFFFF  }
0xc1: {  	[dreg:$0x0] =	wrdreg $0xFFFFFFFF;
	(pc) =	sbr.abs _section_cstart, $3  }
0xc2: {  	[dreg:$0x1] =	wrdreg $0xFFFFFFFF  }
0xc3: {  	_ =	task.clear_ibuf [dreg:s8], $0x2FFFF;
	_ =	strace $0x9FFFFFFF  }
0xc4: {  	(tm) =	ssettm $0x7FFFFFFF  }
0xc5: {  	_ =	shalt  }
tec
execute0_lowered:
.L_overlay_start_1:
0x0: {  	(tag) =	ssettag $0x1  }
0x1: {  	s3 =	rddreg [dreg:$0x0];
	s1 =	srdreg.scid  }
0x2: {  	s5 =	rddreg [dreg:$0x1];
	s0 =	stileid.u32;
	s23 =	sand.u32 $0x1, s1  }
0x3: {  	s22 =	rddreg [dreg:$0x2];
	s4 =	sshll.u32 s0, $0xA;
	s6 =	sshll.u32 s23, $0x9  }
0x4: {  	s2 =	simm.s32 $0x0;
	s1 =	rddreg [dreg:$0x3];
	s24 =	sor.u32 s6, s4  }
0x5: {  	[smem:$0x7FF] =	sst s2;
	s4 =	sshrl.u32 s24, $0x3  }
0x6: {  	_ =	strace $0x80000047;
	s4 =	sadd.s32 s3, s4;
	s3 =	simm.s32 $0x2  }
0x7: {  	[tilespmem:s2], [sflag:$0x2] =	stream.linear.gather [hbm4b:s4+s2], $0x200, $0x38;
	[tilespmem:$0x8200] =	vst v63  }
0x8: {  	_ =	swait.ge [sflag:s3], $0x200  }
0x9: {  	s7 =	simm.s32 $0x200;
	[sflag:s3] =	ssyncset.done $0x0  }
0xa: {  	s5 =	sadd.s32 $0xF43E00, s5;
	s6 =	simm.s32 $0x40;
	[sflag:s3] =	ssyncadd.s32 $0xFFFFFE00  }
0xb: {  	[tilespmem:s7], [sflag:$0x1] =	stream.indirect.gather [hbm4b:s5+s6], $0x40, s2, s6, $0xb8;
	[tilespmem:$0x8200] =	vst v63  }
0xc: {  	s8 =	simm.s32 $0x1200  }
0xd: {  	[tilespmem:s8], [sflag:$0x1] =	stream.indirect.gather [hbm4b:s5+s6], $0x40, s6, s6, $0xb8;
	[tilespmem:$0x8200] =	vst v63  }
0xe: {  	s9 =	simm.s32 $0x80;
	s10 =	simm.s32 $0x2200  }
0xf: {  	[tilespmem:s10], [sflag:$0x1] =	stream.indirect.gather [hbm4b:s5+s6], $0x40, s9, s6, $0xb8;
	[tilespmem:$0x8200] =	vst v63  }
0x10: {  	s11 =	simm.s32 $0xC0;
	s12 =	simm.s32 $0x3200  }
0x11: {  	[tilespmem:s12], [sflag:$0x1] =	stream.indirect.gather [hbm4b:s5+s6], $0x40, s11, s6, $0xb8;
	[tilespmem:$0x8200] =	vst v63  }
0x12: {  	s13 =	simm.s32 $0x100;
	s14 =	simm.s32 $0x4200  }
0x13: {  	[tilespmem:s14], [sflag:$0x1] =	stream.indirect.gather [hbm4b:s5+s6], $0x40, s13, s6, $0xb8;
	[tilespmem:$0x8200] =	vst v63  }
0x14: {  	s15 =	simm.s32 $0x140;
	s16 =	simm.s32 $0x5200  }
0x15: {  	[tilespmem:s16], [sflag:$0x1] =	stream.indirect.gather [hbm4b:s5+s6], $0x40, s15, s6, $0xb8;
	[tilespmem:$0x8200] =	vst v63  }
0x16: {  	s17 =	simm.s32 $0x180;
	s18 =	simm.s32 $0x6200  }
0x17: {  	[tilespmem:s18], [sflag:$0x1] =	stream.indirect.gather [hbm4b:s5+s6], $0x40, s17, s6, $0xb8;
	[tilespmem:$0x8200] =	vst v63  }
0x18: {  	s19 =	simm.s32 $0x1C0;
	s20 =	simm.s32 $0x7200;
	s21 =	simm.s32 $0x1  }
0x19: {  	[tilespmem:s20], [sflag:$0x1] =	stream.indirect.gather [hbm4b:s5+s6], $0x40, s19, s6, $0xb8;
	[tilespmem:$0x8200] =	vst v63  }
0x1a: {  	_ =	swait.ge [sflag:s21], $0x1000  }
0x1b: {  	[sflag:s21] =	ssyncset.done $0x0  }
0x1c: {  	[sflag:s21] =	ssyncadd.s32 $0xFFFFF000  }
0x1d: {  	_ =	swait.ge [sflag:s21], $0x1000  }
0x1e: {  	[sflag:s21] =	ssyncset.done $0x0  }
0x1f: {  	[sflag:s21] =	ssyncadd.s32 $0xFFFFF000  }
0x20: {  	_ =	swait.ge [sflag:s21], $0x1000  }
0x21: {  	[sflag:s21] =	ssyncset.done $0x0  }
0x22: {  	[sflag:s21] =	ssyncadd.s32 $0xFFFFF000  }
0x23: {  	_ =	swait.ge [sflag:s21], $0x1000  }
0x24: {  	[sflag:s21] =	ssyncset.done $0x0  }
0x25: {  	[sflag:s21] =	ssyncadd.s32 $0xFFFFF000  }
0x26: {  	_ =	swait.ge [sflag:s21], $0x1000  }
0x27: {  	[sflag:s21] =	ssyncset.done $0x0  }
0x28: {  	[sflag:s21] =	ssyncadd.s32 $0xFFFFF000  }
0x29: {  	_ =	swait.ge [sflag:s21], $0x1000  }
0x2a: {  	[sflag:s21] =	ssyncset.done $0x0  }
0x2b: {  	s23 =	ssub.s32 $0x2, s23;
	[sflag:s21] =	ssyncadd.s32 $0xFFFFF000  }
0x2c: {  	s25 =	sshrl.u32 s23, $0x1;
	_ =	swait.ge [sflag:s21], $0x1000  }
0x2d: {  	s23 =	ssub.s32 s23, s25;
	[sflag:s21] =	ssyncset.done $0x0  }
0x2e: {  	s23 =	smax.u32 s23, $0x1;
	[sflag:s21] =	ssyncadd.s32 $0xFFFFF000  }
0x2f: {  	p0 =	sne.s32 s23, $0x1;
	_ =	swait.ge [sflag:s21], $0x1000  }
.Ltmp0:
0x30: {  	s24 =	sshll.u32 s24, $0x3;
	[sflag:s21] =	ssyncset.done $0x0;
	(pc) =	sbr.rel @!p0 .LBB2_2-.Ltmp0, $4  }
0x31: {  	s22 =	sadd.s32 s22, s24;
	[sflag:s21] =	ssyncadd.s32 $0xFFFFF000  }
0x32: {  	[hbm4b:s22+s2] =	stream.linear.scatter [tilespmem:s7], [sflag:$0x2], $0x8000, $0x38;
	[tilespmem:$0x8200] =	vst v63  }
0x33: {  	_ =	swait.ge [sflag:s3], $0x8000  }
0x34: {  	s23 =	sadd.s32 $0xFFFFFFFF, s23;
	[sflag:s3] =	ssyncset.done $0x0  }
.LBB2_1:
0x35: {  	p0 =	sne.s32 s23, $0x1;
	s23 =	sadd.s32 $0xFFFFFFFF, s23;
	[sflag:s3] =	ssyncadd.s32 $0xFFFF8000  }
0x36: {  	[tilespmem:s2], [sflag:$0x2] =	stream.linear.gather [hbm4b:s4+s2], $0x200, $0x38;
	[tilespmem:$0x8200] =	vst v63  }
0x37: {  	_ =	swait.ge [sflag:s3], $0x200  }
0x38: {  	[sflag:s3] =	ssyncset.done $0x0  }
0x39: {  	[sflag:s3] =	ssyncadd.s32 $0xFFFFFE00  }
0x3a: {  	[tilespmem:s7], [sflag:$0x1] =	stream.indirect.gather [hbm4b:s5+s6], $0x40, s2, s6, $0xb8;
	[tilespmem:$0x8200] =	vst v63  }
0x3b: {  	_ = 	snop  }
0x3c: {  	[tilespmem:s8], [sflag:$0x1] =	stream.indirect.gather [hbm4b:s5+s6], $0x40, s6, s6, $0xb8;
	[tilespmem:$0x8200] =	vst v63  }
0x3d: {  	_ = 	snop  }
0x3e: {  	[tilespmem:s10], [sflag:$0x1] =	stream.indirect.gather [hbm4b:s5+s6], $0x40, s9, s6, $0xb8;
	[tilespmem:$0x8200] =	vst v63  }
0x3f: {  	_ = 	snop  }
0x40: {  	[tilespmem:s12], [sflag:$0x1] =	stream.indirect.gather [hbm4b:s5+s6], $0x40, s11, s6, $0xb8;
	[tilespmem:$0x8200] =	vst v63  }
0x41: {  	_ = 	snop  }
0x42: {  	[tilespmem:s14], [sflag:$0x1] =	stream.indirect.gather [hbm4b:s5+s6], $0x40, s13, s6, $0xb8;
	[tilespmem:$0x8200] =	vst v63  }
0x43: {  	_ = 	snop  }
0x44: {  	[tilespmem:s16], [sflag:$0x1] =	stream.indirect.gather [hbm4b:s5+s6], $0x40, s15, s6, $0xb8;
	[tilespmem:$0x8200] =	vst v63  }
0x45: {  	_ = 	snop  }
0x46: {  	[tilespmem:s18], [sflag:$0x1] =	stream.indirect.gather [hbm4b:s5+s6], $0x40, s17, s6, $0xb8;
	[tilespmem:$0x8200] =	vst v63  }
0x47: {  	_ = 	snop  }
0x48: {  	[tilespmem:s20], [sflag:$0x1] =	stream.indirect.gather [hbm4b:s5+s6], $0x40, s19, s6, $0xb8;
	[tilespmem:$0x8200] =	vst v63  }
0x49: {  	_ =	swait.ge [sflag:s21], $0x1000  }
0x4a: {  	[sflag:s21] =	ssyncset.done $0x0  }
0x4b: {  	[sflag:s21] =	ssyncadd.s32 $0xFFFFF000  }
0x4c: {  	_ =	swait.ge [sflag:s21], $0x1000  }
0x4d: {  	[sflag:s21] =	ssyncset.done $0x0  }
0x4e: {  	[sflag:s21] =	ssyncadd.s32 $0xFFFFF000  }
0x4f: {  	_ =	swait.ge [sflag:s21], $0x1000  }
0x50: {  	[sflag:s21] =	ssyncset.done $0x0  }
0x51: {  	[sflag:s21] =	ssyncadd.s32 $0xFFFFF000  }
0x52: {  	_ =	swait.ge [sflag:s21], $0x1000  }
0x53: {  	[sflag:s21] =	ssyncset.done $0x0  }
0x54: {  	[sflag:s21] =	ssyncadd.s32 $0xFFFFF000  }
0x55: {  	_ =	swait.ge [sflag:s21], $0x1000  }
0x56: {  	[sflag:s21] =	ssyncset.done $0x0  }
0x57: {  	[sflag:s21] =	ssyncadd.s32 $0xFFFFF000  }
0x58: {  	_ =	swait.ge [sflag:s21], $0x1000  }
0x59: {  	[sflag:s21] =	ssyncset.done $0x0  }
0x5a: {  	[sflag:s21] =	ssyncadd.s32 $0xFFFFF000  }
0x5b: {  	_ =	swait.ge [sflag:s21], $0x1000  }
0x5c: {  	[sflag:s21] =	ssyncset.done $0x0  }
0x5d: {  	[sflag:s21] =	ssyncadd.s32 $0xFFFFF000  }
0x5e: {  	_ =	swait.ge [sflag:s21], $0x1000  }
.Ltmp1:
0x5f: {  	[sflag:s21] =	ssyncset.done $0x0;
	(pc) =	sbr.rel @p0 .LBB2_1-.Ltmp1, $4  }
0x60: {  	[sflag:s21] =	ssyncadd.s32 $0xFFFFF000  }
0x61: {  	[hbm4b:s22+s2] =	stream.linear.scatter [tilespmem:s7], [sflag:$0x2], $0x8000, $0x38;
	[tilespmem:$0x8200] =	vst v63  }
0x62: {  	_ =	swait.ge [sflag:s3], $0x8000  }
0x63: {  	[sflag:s3] =	ssyncset.done $0x0  }
.LBB2_2:
0x64: {  	[sflag:s3] =	ssyncadd.s32 $0xFFFF8000  }
0x65: {  	_ =	sfence.sel $0x180000  }
0x66: {  	[bflag:$0x0] =	sbarrier.arrive $0xFFFF  }
0x67: {  	p0 =	sne.s32 s0, $0x0;
	_ =	strace $0x90000047  }
0x68: {  	s0 =	sadd.s32 @!p0 $0x100000, s1;
	[bflag:$0x2] =	sbarrier.arrive $0xFFFF  }
0x69: {  	[sflag:s0] =	ssyncadd.tile.s32 @!p0 $0x1;
	_ =	shalt  }
.Lfunc_end2:
_tile_overlayer_lowered:
.L_overlay_start_2:
0x6a: {  	(tag) =	ssettag $0x2  }
0x6b: {  	s0 =	rddreg [dreg:$0x0];
	s2 =	stileid.u32  }
0x6c: {  	s1 =	rddreg [dreg:$0x1];
	p0 =	sne.s32 s2, $0x0  }
0x6d: {  	s3 =	rddreg [dreg:$0x2];
	[bflag:$0x3] =	sbarrier.arrive $0xFFFF;
	s2 =	simm.s32 @!p0 $0x1C02  }
0x6e: {  	[timem:s3], [sflag:s2] =	dma.local @!p0 [hbm:s0], s1  }
0x6f: {  	s0 =	simm.s32 @!p0 $0x2  }
0x70: {  	_ =	swait.ge @!p0 [sflag:s0], s1  }
0x71: {  	s1 =	ssub.s32 @!p0 $0x0, s1;
	[sflag:s0] =	ssyncset.done @!p0 $0x0  }
0x72: {  	[sflag:s0] =	ssyncadd.s32 @!p0 s1  }
0x73: {  	[bflag:$0x3] =	sbarrier.arrive $0xFFFF  }
0x74: {  	_ =	shalt  }

// kernel: sparse-core-data-format-call.cloned.1.call-start
scs
called_computation_lowered:
.L_overlay_start_0:
0x0: {  	s2 =	sld [smem:$0x3FD9]  }
0x1: {  	s3 =	sld [smem:$0x3FFE];
	_ =	sdelay $0x1  }
0x2: {  	s1 =	srdreg.scid  }
0x3: {  	s0 =	sand.u32 $0x1, s1  }
0x4: {  	s18 =	sshll.u32 s0, $0xA;
	s2 =	sadd.s32 s3, s2  }
0x5: {  	s2 =	sadd.s32 s2, s18  }
0x6: {  	[smem:$0x3FBE] =	sst s2  }
0x7: {  	_ = 	snop  }
0x8: {  	s2 =	sld [smem:$0x3FD0];
	(tm) =	ssettm $0x1  }
0x9: {  	s19 =	sld [smem:$0x3FFB];
	_ =	sdelay $0x3  }
0xa: {  	_ =	strace s19  }
0xb: {  	s3 =	sld [smem:$0x3FFC];
	_ =	sdelay $0x3  }
0xc: {  	_ =	strace s3  }
0xd: {  	s3 =	sld [smem:$0x3FFD];
	_ =	sdelay $0x3  }
0xe: {  	_ =	strace s3  }
0xf: {  	_ =	strace $0x8FFFFFFF  }
0x10: {  	s20 =	sld [smem:$0x3FDB];
	_ =	sdelay $0x1  }
0x11: {  	s4 =	simm.s32 $_scs_section_size  }
0x12: {  	s5 =	simm.s32 $_size__tile_overlayer_lowered;
	s6 =	simm.s32 $_tile_overlayer_lowered  }
0x13: {  	s23 =	simm.s32 $0x1BFF;
	s22 =	sshll.u32 s6, $0x1;
	s3 =	sadd.s32 s4, s20  }
0x14: {  	s7 =	simm.s32 $0x0;
	s21 =	sshll.u32 s5, $0x1;
	s5 =	sadd.s32 s22, s3  }
0x15: {  	[timem:s7], [sflag:s23] =	dma.local [hbm:s5], s21  }
0x16: {  	_ =	swait.ge [sflag:s23], s21  }
0x17: {  	s4 =	ssub.s32 $0x0, s21;
	[sflag:s23] =	ssyncset.done $0x0  }
0x18: {  	[sflag:s23] =	ssyncadd.s32 s4;
	_ =	sdelay $0x1  }
0x19: {  	s24 =	simm.s32 $0x1B8B  }
0x1a: {  	_ =	swait.ge [sflag:s24], $0x1  }
0x1b: {  	[sflag:s24] =	ssyncset.done $0x0  }
0x1c: {  	s26 =	simm.s32 $0x1B8E;
	s25 =	sld [smem:$0x3FFE];
	[sflag:s24] =	ssyncadd.s32 $0xFFFFFFFF  }
0x1d: {  	s27 =	simm.s32 $execute0_lowered;
	[smem:$0x3FD2] =	sst s26  }
0x1e: {  	s5 =	sshll.u32 s27, $0x1;
	_ =	strace $0x80000049;
	[dreg:$0x1] =	wrdreg $0xFFFFFFFF  }
0x1f: {  	s28 =	simm.s32 $_size_execute0_lowered;
	s3 =	sadd.s32 s3, s5;
	[dreg:$0x0] =	wrdreg $0x0  }
0x20: {  	s5 =	sshll.u32 s28, $0x1;
	[dreg:$0x2] =	wrdreg s3  }
0x21: {  	[dreg:$0x3] =	wrdreg s5  }
0x22: {  	[dreg:$0x4] =	wrdreg $0xC0  }
0x23: {  	_ =	task [dreg:s7], $0x5FFFF  }
0x24: {  	[dreg:$0x1] =	wrdreg $0xFFFFFFFF  }
0x25: {  	[dreg:$0x0] =	wrdreg $0x60  }
0x26: {  	[dreg:$0x2] =	wrdreg s25  }
0x27: {  	[dreg:$0x3] =	wrdreg s2  }
0x28: {  	[dreg:$0x4] =	wrdreg $0x9  }
0x29: {  	_ =	task.clear_ibuf [dreg:s7], $0x5FFFF;
	_ =	strace $0x90000049  }
0x2a: {  	s29 =	simm.s32 $0x9;
	_ =	strace $0x8000004B  }
0x2b: {  	_ =	swait.ge [sflag:s29], $0x1  }
0x2c: {  	[sflag:s29] =	ssyncadd.s32 $0xFFFFFFFF  }
0x2d: {  	_ =	strace $0x9000004B  }
0x2e: {  	_ =	sfence  }
0x2f: {  	s30 =	sld [smem:$0x0];
	_ =	sdelay $0x2  }
0x30: {  	s31 =	sshll.u32 s1, $0xD;
	s1 =	sshrl.u32 s1, $0x2  }
0x31: {  	s3 =	sand.u32 $0x4000, s31;
	s1 =	sadd.s32 s1, s30  }
0x32: {  	s0 =	sor.u32 s3, s0;
	s1 =	sshll.u32 s1, $0x11  }
0x33: {  	s0 =	sor.u32 s1, s0  }
0x34: {  	s0 =	sadd.s32 $0x8F2B, s0  }
0x35: {  	[sflag:s0] =	ssyncadd.remote.s32 $0x1  }
0x36: {  	_ =	sfence.sel $0xFFFF  }
0x37: {  	[dreg:$0x0] =	wrdreg $0xFFFFFFFF;
	(pc) =	sbr.abs _section_cstart, $3  }
0x38: {  	[dreg:$0x1] =	wrdreg $0xFFFFFFFF  }
0x39: {  	_ =	task.clear_ibuf [dreg:s7], $0x2FFFF;
	_ =	strace $0x9FFFFFFF  }
0x3a: {  	(tm) =	ssettm $0x7FFFFFFF  }
0x3b: {  	_ =	shalt  }
tec
execute0_lowered:
.L_overlay_start_1:
0x0: {  	(tag) =	ssettag $0x1  }
0x1: {  	s0 =	srdreg.scid  }
0x2: {  	s1 =	sshll.u32 s0, $0x4  }
0x3: {  	s4 =	rddreg [dreg:$0x0];
	s0 =	stileid.u32;
	s1 =	sand.u32 $0x10, s1  }
0x4: {  	s2 =	rddreg [dreg:$0x1];
	s7 =	simm.s32 $0x1;
	s1 =	sor.u32 s0, s1  }
0x5: {  	s8 =	simm.s32 $0x2;
	s9 =	simm.s32 $0x0;
	s3 =	sshll.u32 s1, $0x5  }
0x6: {  	s12 =	simm.s32 $0x0;
	s11 =	simm.s32 $0x0;
	s6 =	ssub.s32 $0x4000, s3  }
.Ltmp0:
0x7: {  	s4 =	sadd.s32 $0x1A00, s4;
	s5 =	sand.u32 $0x3E0, s6;
	(pc) =	sbr.rel .LBB1_1-.Ltmp0, $4  }
0x8: {  	s1 =	rddreg [dreg:$0x2];
	_ =	strace $0x8000004A;
	p0 =	sne.s32 s5, $0x0  }
0x9: {  	s6 =	sshrl.u32 s6, $0xA;
	s5 =	simm.s32 $0x1;
	s7 =	simm.s32 @!p0 $0x0  }
0xa: {  	s10 =	smov.u32 s3;
	[sflag:s5] =	ssyncpa.u1 $0x0;
	s6 =	sadd.s32 s7, s6  }
0xb: {  	[sflag:s8] =	ssyncpa.u1 $0x0;
	s8 =	simm.s32 $0x0;
	s7 =	sadd.s32 $0x1, s6  }
.LBB1_4:
0xc: {  	_ = 	snop  }
0xd: {  	[tilespmem:s15+$0x60] =	vst v7  }
0xe: {  	[tilespmem:s15+$0x70] =	vst v6  }
0xf: {  	[tilespmem:s15+$0x90] =	vst v4  }
0x10: {  	s18 =	sor.u32 s20, s19;
	v31 =	vld.idx.msk [tilespmem:v0+s16+$0xC70 ss:$0x1], $0xffff;
	[tilespmem:s15+$0xA0] =	vst v1  }
0x11: {  	[tilespmem:s15+$0xB0] =	vst v2;
	v43 =	vld.idx.msk [tilespmem:v0+s18+$0x410 ss:$0x1], $0xffff  }
0x12: {  	[tilespmem:s15+$0xC0] =	vst v3;
	v44 =	vld.idx.msk [tilespmem:v0+s18+$0x420 ss:$0x1], $0xffff  }
0x13: {  	[tilespmem:s15+$0xD0] =	vst v5;
	v45 =	vld.idx.msk [tilespmem:v0+s18+$0x430 ss:$0x1], $0xffff  }
0x14: {  	[tilespmem:s15+$0xE0] =	vst v8;
	v46 =	vld.idx.msk [tilespmem:v0+s18+$0x440 ss:$0x1], $0xffff  }
0x15: {  	s31 =	sadd.s32 $0x200, s15;
	v47 =	vld.idx.msk [tilespmem:v0+s18+$0x450 ss:$0x1], $0xffff;
	[tilespmem:s15+$0xF0] =	vst v31  }
0x16: {  	v48 =	vld.idx.msk [tilespmem:v0+s18+$0x460 ss:$0x1], $0xffff;
	[tilespmem:s31+$0xFFFFFF90] =	vst v43  }
0x17: {  	v49 =	vld.idx.msk [tilespmem:v0+s18+$0x470 ss:$0x1], $0xffff;
	[tilespmem:s31+$0xFFFFFFA0] =	vst v44  }
0x18: {  	v50 =	vld.idx.msk [tilespmem:v0+s18+$0x810 ss:$0x1], $0xffff;
	[tilespmem:s31+$0xFFFFFFB0] =	vst v45  }
0x19: {  	v51 =	vld.idx.msk [tilespmem:v0+s18+$0x820 ss:$0x1], $0xffff;
	[tilespmem:s31+$0xFFFFFFC0] =	vst v46  }
0x1a: {  	v52 =	vld.idx.msk [tilespmem:v0+s18+$0x830 ss:$0x1], $0xffff;
	[tilespmem:s31+$0xFFFFFFD0] =	vst v47  }
0x1b: {  	v53 =	vld.idx.msk [tilespmem:v0+s18+$0x840 ss:$0x1], $0xffff;
	[tilespmem:s31+$0xFFFFFFE0] =	vst v48  }
0x1c: {  	v54 =	vld.idx.msk [tilespmem:v0+s18+$0x850 ss:$0x1], $0xffff;
	[tilespmem:s31+$0xFFFFFFF0] =	vst v49  }
0x1d: {  	v55 =	vld.idx.msk [tilespmem:v0+s18+$0x860 ss:$0x1], $0xffff;
	[tilespmem:s31+$0x10] =	vst v50  }
0x1e: {  	v56 =	vld.idx.msk [tilespmem:v0+s18+$0x870 ss:$0x1], $0xffff;
	[tilespmem:s31+$0x20] =	vst v51  }
0x1f: {  	v57 =	vld.idx.msk [tilespmem:v0+s18+$0xC10 ss:$0x1], $0xffff;
	[tilespmem:s31+$0x30] =	vst v52  }
0x20: {  	v58 =	vld.idx.msk [tilespmem:v0+s18+$0xC20 ss:$0x1], $0xffff;
	[tilespmem:s31+$0x40] =	vst v53  }
0x21: {  	v59 =	vld.idx.msk [tilespmem:v0+s18+$0xC30 ss:$0x1], $0xffff;
	[tilespmem:s31+$0x50] =	vst v54  }
0x22: {  	v60 =	vld.idx.msk [tilespmem:v0+s18+$0xC40 ss:$0x1], $0xffff;
	[tilespmem:s31+$0x60] =	vst v55  }
0x23: {  	s19 =	sand.u32 $0x3200, s18;
	v61 =	vld.idx.msk [tilespmem:v0+s18+$0xC50 ss:$0x1], $0xffff;
	[tilespmem:s31+$0x70] =	vst v56  }
0x24: {  	s17 =	sand.u32 $0x180, s17;
	v62 =	vld.idx.msk [tilespmem:v0+s18+$0xC60 ss:$0x1], $0xffff;
	s14 =	sadd.s32 s19, s14;
	[tilespmem:s31+$0x90] =	vst v57  }
0x25: {  	v63 =	vld.idx.msk [tilespmem:v0+s18+$0xC70 ss:$0x1], $0xffff;
	s14 =	sadd.s32 s17, s14;
	[tilespmem:s31+$0xA0] =	vst v58  }
0x26: {  	v32 =	vld [tilespmem:s14+$0xC00];
	[tilespmem:s31+$0xB0] =	vst v59  }
0x27: {  	v33 =	vld [tilespmem:s14+$0x0];
	[tilespmem:s31+$0xC0] =	vst v60  }
0x28: {  	v34 =	vld [tilespmem:s14+$0x10];
	[tilespmem:s31+$0xD0] =	vst v61  }
0x29: {  	v35 =	vld [tilespmem:s14+$0x20];
	[tilespmem:s31+$0xE0] =	vst v62  }
0x2a: {  	v36 =	vld [tilespmem:s14+$0x30];
	[tilespmem:s31+$0xF0] =	vst v63  }
0x2b: {  	v37 =	vld [tilespmem:s14+$0x40];
	[tilespmem:s31+$0x80] =	vst v32  }
0x2c: {  	v38 =	vld [tilespmem:s14+$0x50];
	[tilespmem:s31+$0xFFFFFF00] =	vst v33  }
0x2d: {  	v39 =	vld [tilespmem:s14+$0x60];
	[tilespmem:s31+$0xFFFFFF10] =	vst v34  }
0x2e: {  	v40 =	vld [tilespmem:s14+$0x70];
	[tilespmem:s31+$0xFFFFFF20] =	vst v35  }
0x2f: {  	v41 =	vld [tilespmem:s14+$0x400];
	[tilespmem:s31+$0xFFFFFF30] =	vst v36  }
0x30: {  	v42 =	vld [tilespmem:s14+$0x800];
	[tilespmem:s31+$0xFFFFFF40] =	vst v37  }
0x31: {  	[tilespmem:s31+$0xFFFFFF50] =	vst v38  }
0x32: {  	[tilespmem:s31+$0xFFFFFF60] =	vst v39  }
0x33: {  	[tilespmem:s31+$0xFFFFFF70] =	vst v40  }
0x34: {  	s12 =	sshll.u32 s12, $0x6;
	[tilespmem:s31+$0xFFFFFF80] =	vst v41  }
0x35: {  	s12 =	sadd.s32 s2, s12;
	[tilespmem:s31+$0x0] =	vst v42  }
0x36: {  	[hbm4b:s12+s8] =	stream.linear.scatter [tilespmem:s13], [sflag:$0x2], $0x4000, $0x38;
	[tilespmem:$0x10000] =	vst v63  }
.LBB1_5:
0x37: {  	s14 =	sadd.s32 $0x400, s10  }
0x38: {  	p1 =	sgt.s32 s14, $0x3FFF  }
0x39: {  	s14 =	smov.u32 @p1 s3;
	p1 =	sne.s32 s11, s7  }
.Ltmp1:
0x3a: {  	p0 =	slt.u32 s11, $0x2;
	(pc) =	sbr.rel @!p1 .LBB1_6-.Ltmp1, $4  }
0x3b: {  	s13 =	simm.s32 @!p0 $0x2  }
0x3c: {  	s15 =	sadd.s32 $0x1, s11;
	_ =	swait.ge @!p0 [sflag:s13], $0x4000  }
0x3d: {  	s12 =	smov.u32 s10;
	s9 =	sadd.s32 $0x4000, s9;
	[sflag:s13] =	ssyncset.done @!p0 $0x0  }
0x3e: {  	s11 =	smov.u32 s15;
	s10 =	smov.u32 s14;
	[sflag:s13] =	ssyncadd.s32 @!p0 $0xFFFFC000  }
.LBB1_1:
0x3f: {  	p0 =	sge.u32 s11, s6  }
0x40: {  	s13 =	sshll.u32 @!p0 s10, $0x9;
	s14 =	sshll.u32 @!p0 s10, $0x7  }
0x41: {  	s13 =	sand.u32 @!p0 $0x7FF000, s13;
	s14 =	sand.u32 @!p0 $0x380, s14  }
0x42: {  	s15 =	sxor.u32 @!p0 $0xFFFFFFFF, s11;
	s13 =	sor.u32 @!p0 s14, s13  }
0x43: {  	s31 =	sadd.s32 $0xFFFFFFFF, s11;
	s14 =	sshll.u32 @!p0 s15, $0xE;
	s13 =	sshrl.u32 @!p0 s13, $0x3  }
0x44: {  	s15 =	simm.s32 @!p0 $0x0;
	s14 =	sand.u32 @!p0 $0x4000, s14;
	s13 =	sadd.s32 @!p0 s4, s13  }
0x45: {  	[tilespmem:s14], [sflag:$0x1] =	stream.linear.gather @!p0 [hbm4b:s13+s15], $0x4000, $0x38;
	[tilespmem:$0x10000] =	vst v63  }
0x46: {  	p0 =	sge.u32 s31, s6  }
.Ltmp2:
0x47: {  	_ = 	snop;
	(pc) =	sbr.rel @p0 .LBB1_5-.Ltmp2, $1  }
0x48: {  	_ =	sdelay $0x3  }
0x49: {  	s30 =	simm.s32 $0x0  }
0x4a: {  	s15 =	sand.u32 $0x3000, s30;
	s16 =	sand.u32 $0x380, s30  }
0x4b: {  	s13 =	sshll.u32 s11, $0xE;
	s16 =	sor.u32 s16, s15  }
0x4c: {  	_ =	swait.ge [sflag:s5], $0x4000;
	s14 =	sand.u32 $0x4000, s13;
	s15 =	sand.u32 $0x3200, s16  }
0x4d: {  	[sflag:s5] =	ssyncset.done $0x0;
	s13 =	sand.u32 $0x180, s30;
	s15 =	sadd.s32 s15, s14  }
0x4e: {  	[sflag:s5] =	ssyncadd.s32 $0xFFFFC000;
	s13 =	sadd.s32 s13, s15  }
0x4f: {  	v4 =	vld [tilespmem:s13+$0xC00]  }
0x50: {  	v0 =	vmov s14;
	v5 =	vld [tilespmem:s13+$0x0]  }
0x51: {  	v6 =	vld [tilespmem:s13+$0x10]  }
0x52: {  	v7 =	vld [tilespmem:s13+$0x20]  }
0x53: {  	v8 =	vld [tilespmem:s13+$0x30]  }
0x54: {  	v9 =	vld [tilespmem:s13+$0x40]  }
0x55: {  	s31 =	sand.u32 $0x4000, s9;
	v1 =	vld.idx.msk [tilespmem:v0+s16+$0x410 ss:$0x1], $0xffff  }
0x56: {  	s15 =	sor.u32 $0x8100, s31;
	v2 =	vld.idx.msk [tilespmem:v0+s16+$0x420 ss:$0x1], $0xffff  }
0x57: {  	v3 =	vld.idx.msk [tilespmem:v0+s16+$0x430 ss:$0x1], $0xffff;
	[tilespmem:s15+$0x80] =	vst v4  }
0x58: {  	v10 =	vld.idx.msk [tilespmem:v0+s16+$0x820 ss:$0x1], $0xffff;
	[tilespmem:s15+$0xFFFFFF00] =	vst v5  }
0x59: {  	v11 =	vld.idx.msk [tilespmem:v0+s16+$0x830 ss:$0x1], $0xffff;
	[tilespmem:s15+$0xFFFFFF10] =	vst v6  }
0x5a: {  	v12 =	vld.idx.msk [tilespmem:v0+s16+$0x840 ss:$0x1], $0xffff;
	[tilespmem:s15+$0xFFFFFF20] =	vst v7  }
0x5b: {  	v13 =	vld.idx.msk [tilespmem:v0+s16+$0x850 ss:$0x1], $0xffff;
	[tilespmem:s15+$0xFFFFFF30] =	vst v8  }
0x5c: {  	v4 =	vld [tilespmem:s13+$0x50];
	[tilespmem:s15+$0xFFFFFF40] =	vst v9  }
0x5d: {  	v5 =	vld [tilespmem:s13+$0x60];
	[tilespmem:s15+$0xFFFFFF90] =	vst v1  }
0x5e: {  	v6 =	vld [tilespmem:s13+$0x70];
	[tilespmem:s15+$0xFFFFFFA0] =	vst v2  }
0x5f: {  	v7 =	vld [tilespmem:s13+$0x400];
	[tilespmem:s15+$0xFFFFFFB0] =	vst v3  }
0x60: {  	v8 =	vld [tilespmem:s13+$0x800];
	[tilespmem:s15+$0x20] =	vst v10  }
0x61: {  	v9 =	vld.idx.msk [tilespmem:v0+s16+$0x470 ss:$0x1], $0xffff;
	[tilespmem:s15+$0x30] =	vst v11  }
0x62: {  	v1 =	vld.idx.msk [tilespmem:v0+s16+$0xC20 ss:$0x1], $0xffff;
	[tilespmem:s15+$0x40] =	vst v12  }
0x63: {  	v2 =	vld.idx.msk [tilespmem:v0+s16+$0xC30 ss:$0x1], $0xffff;
	[tilespmem:s15+$0x50] =	vst v13  }
0x64: {  	v3 =	vld.idx.msk [tilespmem:v0+s16+$0xC40 ss:$0x1], $0xffff;
	[tilespmem:s15+$0xFFFFFF50] =	vst v4  }
0x65: {  	[tilespmem:s15+$0xFFFFFF70] =	vst v6;
	v6 =	vld.idx.msk [tilespmem:v0+s16+$0x460 ss:$0x1], $0xffff  }
0x66: {  	v4 =	vld.idx.msk [tilespmem:v0+s16+$0x440 ss:$0x1], $0xffff;
	[tilespmem:s15+$0xFFFFFF60] =	vst v5  }
0x67: {  	v5 =	vld.idx.msk [tilespmem:v0+s16+$0x450 ss:$0x1], $0xffff;
	[tilespmem:s15+$0xFFFFFF80] =	vst v7  }
0x68: {  	[tilespmem:s15+$0x0] =	vst v8;
	v8 =	vld.idx.msk [tilespmem:v0+s16+$0x810 ss:$0x1], $0xffff  }
0x69: {  	v7 =	vld.idx.msk [tilespmem:v0+s16+$0x860 ss:$0x1], $0xffff;
	[tilespmem:s15+$0xFFFFFFF0] =	vst v9  }
0x6a: {  	[tilespmem:s15+$0xFFFFFFE0] =	vst v6;
	v6 =	vld.idx.msk [tilespmem:v0+s16+$0x870 ss:$0x1], $0xffff  }
0x6b: {  	s18 =	simm.s32 $0x200;
	[tilespmem:s15+$0xFFFFFFC0] =	vst v4;
	v4 =	vld.idx.msk [tilespmem:v0+s16+$0xC10 ss:$0x1], $0xffff  }
0x6c: {  	s17 =	simm.s32 $0x80;
	s19 =	sand.u32 $0x3000, s18;
	[tilespmem:s15+$0xFFFFFFD0] =	vst v5;
	v5 =	vld.idx.msk [tilespmem:v0+s16+$0xC50 ss:$0x1], $0xffff  }
0x6d: {  	s20 =	sand.u32 $0x380, s17;
	s18 =	simm.s32 $0x400;
	s13 =	sor.u32 $0x8000, s14;
	[tilespmem:s15+$0x10] =	vst v8;
	v8 =	vld.idx.msk [tilespmem:v0+s16+$0xC60 ss:$0x1], $0xffff  }
.LBB1_3:
0x6e: {  	p0 =	sne.s32 s18, $0x3E00;
	[tilespmem:s15+$0x60] =	vst v7;
	v7 =	vld.idx.msk [tilespmem:v0+s16+$0xC70 ss:$0x1], $0xffff;
	s16 =	sor.u32 s20, s19  }
0x6f: {  	s19 =	sand.u32 $0x3200, s16;
	v9 =	vld.idx.msk [tilespmem:v0+s16+$0x410 ss:$0x1], $0xffff;
	[tilespmem:s15+$0x70] =	vst v6  }
0x70: {  	s20 =	sand.u32 $0x180, s17;
	s19 =	sadd.s32 s19, s14;
	v6 =	vld.idx.msk [tilespmem:v0+s16+$0x420 ss:$0x1], $0xffff;
	[tilespmem:s15+$0x90] =	vst v4  }
0x71: {  	s19 =	sadd.s32 s20, s19;
	v4 =	vld.idx.msk [tilespmem:v0+s16+$0x430 ss:$0x1], $0xffff;
	[tilespmem:s15+$0xA0] =	vst v1  }
0x72: {  	v1 =	vld [tilespmem:s19+$0xC00];
	[tilespmem:s15+$0xB0] =	vst v2  }
0x73: {  	v2 =	vld [tilespmem:s19+$0x0];
	[tilespmem:s15+$0xC0] =	vst v3  }
0x74: {  	v3 =	vld [tilespmem:s19+$0x10];
	[tilespmem:s15+$0xD0] =	vst v5  }
0x75: {  	v5 =	vld [tilespmem:s19+$0x20];
	[tilespmem:s15+$0xE0] =	vst v8  }
0x76: {  	v8 =	vld [tilespmem:s19+$0x30];
	[tilespmem:s15+$0xF0] =	vst v7;
	s15 =	sadd.s32 $0x200, s15  }
0x77: {  	v7 =	vld [tilespmem:s19+$0x40];
	[tilespmem:s15+$0x80] =	vst v1  }
0x78: {  	[tilespmem:s15+$0xFFFFFF00] =	vst v2;
	v1 =	vld [tilespmem:s19+$0x50]  }
0x79: {  	[tilespmem:s15+$0xFFFFFF10] =	vst v3;
	v2 =	vld [tilespmem:s19+$0x60]  }
0x7a: {  	[tilespmem:s15+$0xFFFFFF20] =	vst v5;
	v3 =	vld [tilespmem:s19+$0x70]  }
0x7b: {  	[tilespmem:s15+$0xFFFFFF30] =	vst v8;
	v5 =	vld [tilespmem:s19+$0x400]  }
0x7c: {  	[tilespmem:s15+$0xFFFFFF40] =	vst v7;
	v7 =	vld [tilespmem:s19+$0x800]  }
0x7d: {  	[tilespmem:s15+$0xFFFFFF50] =	vst v1;
	v1 =	vld.idx.msk [tilespmem:v0+s16+$0x440 ss:$0x1], $0xffff  }
0x7e: {  	[tilespmem:s15+$0xFFFFFF60] =	vst v2;
	v2 =	vld.idx.msk [tilespmem:v0+s16+$0x450 ss:$0x1], $0xffff  }
0x7f: {  	[tilespmem:s15+$0xFFFFFF70] =	vst v3;
	v3 =	vld.idx.msk [tilespmem:v0+s16+$0x460 ss:$0x1], $0xffff  }
0x80: {  	[tilespmem:s15+$0xFFFFFF80] =	vst v5;
	v5 =	vld.idx.msk [tilespmem:v0+s16+$0x470 ss:$0x1], $0xffff  }
0x81: {  	[tilespmem:s15+$0x0] =	vst v7;
	v8 =	vld.idx.msk [tilespmem:v0+s16+$0x810 ss:$0x1], $0xffff  }
0x82: {  	[tilespmem:s15+$0xFFFFFF90] =	vst v9;
	v9 =	vld.idx.msk [tilespmem:v0+s16+$0x820 ss:$0x1], $0xffff  }
0x83: {  	[tilespmem:s15+$0xFFFFFFA0] =	vst v6;
	v10 =	vld.idx.msk [tilespmem:v0+s16+$0x830 ss:$0x1], $0xffff  }
0x84: {  	[tilespmem:s15+$0xFFFFFFB0] =	vst v4;
	v11 =	vld.idx.msk [tilespmem:v0+s16+$0x840 ss:$0x1], $0xffff  }
0x85: {  	[tilespmem:s15+$0xFFFFFFC0] =	vst v1;
	v12 =	vld.idx.msk [tilespmem:v0+s16+$0x850 ss:$0x1], $0xffff  }
0x86: {  	[tilespmem:s15+$0xFFFFFFD0] =	vst v2;
	v7 =	vld.idx.msk [tilespmem:v0+s16+$0x860 ss:$0x1], $0xffff  }
0x87: {  	[tilespmem:s15+$0xFFFFFFE0] =	vst v3;
	v6 =	vld.idx.msk [tilespmem:v0+s16+$0x870 ss:$0x1], $0xffff  }
0x88: {  	[tilespmem:s15+$0xFFFFFFF0] =	vst v5;
	v4 =	vld.idx.msk [tilespmem:v0+s16+$0xC10 ss:$0x1], $0xffff  }
.Ltmp3:
0x89: {  	[tilespmem:s15+$0x10] =	vst v8;
	v1 =	vld.idx.msk [tilespmem:v0+s16+$0xC20 ss:$0x1], $0xffff;
	(pc) =	sbr.rel @p0 .LBB1_3-.Ltmp3, $4  }
0x8a: {  	[tilespmem:s15+$0x20] =	vst v9;
	v2 =	vld.idx.msk [tilespmem:v0+s16+$0xC30 ss:$0x1], $0xffff  }
0x8b: {  	[tilespmem:s15+$0x30] =	vst v10;
	v3 =	vld.idx.msk [tilespmem:v0+s16+$0xC40 ss:$0x1], $0xffff  }
0x8c: {  	s17 =	sadd.s32 $0x80, s17;
	[tilespmem:s15+$0x40] =	vst v11;
	v5 =	vld.idx.msk [tilespmem:v0+s16+$0xC50 ss:$0x1], $0xffff  }
0x8d: {  	s20 =	sand.u32 $0x380, s17;
	s19 =	sand.u32 $0x3000, s18;
	s18 =	sadd.s32 $0x200, s18;
	[tilespmem:s15+$0x50] =	vst v12;
	v8 =	vld.idx.msk [tilespmem:v0+s16+$0xC60 ss:$0x1], $0xffff  }
.Ltmp4:
0x8e: {  	_ = 	snop;
	(pc) =	sbr.rel .LBB1_4-.Ltmp4, $1  }
0x8f: {  	_ =	sdelay $0x3  }
.LBB1_6:
0x90: {  	_ =	sfence.sel $0x180000  }
0x91: {  	s2 =	simm.s32 $0x1;
	[bflag:$0x0] =	sbarrier.arrive $0xFFFF  }
0x92: {  	s31 =	simm.s32 $0x2;
	[sflag:s2] =	ssyncpa.u1 $0x1  }
0x93: {  	[sflag:s31] =	ssyncpa.u1 $0x1  }
0x94: {  	p0 =	sne.s32 s0, $0x0;
	_ =	strace $0x9000004A  }
0x95: {  	s0 =	sadd.s32 @!p0 $0x100000, s1;
	[bflag:$0x2] =	sbarrier.arrive $0xFFFF  }
0x96: {  	[sflag:s0] =	ssyncadd.tile.s32 @!p0 $0x1;
	_ =	shalt  }
.Lfunc_end1:
_tile_overlayer_lowered:
.L_overlay_start_2:
0x97: {  	(tag) =	ssettag $0x2  }
0x98: {  	s0 =	rddreg [dreg:$0x0];
	s2 =	stileid.u32  }
0x99: {  	s1 =	rddreg [dreg:$0x1];
	p0 =	sne.s32 s2, $0x0  }
0x9a: {  	s3 =	rddreg [dreg:$0x2];
	[bflag:$0x3] =	sbarrier.arrive $0xFFFF;
	s2 =	simm.s32 @!p0 $0x1C01  }
0x9b: {  	[timem:s3], [sflag:s2] =	dma.local @!p0 [hbm:s0], s1  }
0x9c: {  	s0 =	simm.s32 @!p0 $0x1  }
0x9d: {  	_ =	swait.ge @!p0 [sflag:s0], s1  }
0x9e: {  	s1 =	ssub.s32 @!p0 $0x0, s1;
	[sflag:s0] =	ssyncset.done @!p0 $0x0  }
0x9f: {  	[sflag:s0] =	ssyncadd.s32 @!p0 s1  }
0xa0: {  	[bflag:$0x3] =	sbarrier.arrive $0xFFFF  }
0xa1: {  	_ =	shalt  }

</sc_bundles>
